<compile_context>
chip_gen: v7x
topology: tpu7x:2x2x1
jax: 0.10.2.dev20260603
libtpu: 0.0.44.dev20260713+nightly
codegen_flags: <defaults>
</compile_context>

<pallas_src>
import functools

import jax
import jax.numpy as jnp
from jax import lax
from jax.experimental import pallas as pl
from jax.experimental.pallas import tpu as pltpu
from jax.experimental.pallas import tpu_sc as plsc

NUM_WORKERS = 32
CHUNK = 16
NBUF = 6
AHEAD = 6


def _make_gather(nrows, ncols, embed):
    total = nrows * ncols
    per_worker = total // NUM_WORKERS
    nchunks = per_worker // CHUNK
    wpr = ncols // per_worker
    mesh = plsc.VectorSubcoreMesh(core_axis_name="c", subcore_axis_name="s")

    @functools.partial(
        pl.kernel,
        mesh=mesh,
        out_type=jax.ShapeDtypeStruct((nrows, ncols, embed), jnp.float32),
        scratch_types=[
            pltpu.VMEM((per_worker,), jnp.int32),
        ] + [pltpu.VMEM((CHUNK, embed), jnp.float32)] * NBUF
          + [pltpu.SemaphoreType.DMA] * (2 * NBUF),
    )
    def gather_kernel(idx_hbm, table_hbm, out_hbm, idx_v, *scratch):
        bufs = scratch[:NBUF]
        gsems = scratch[NBUF:2 * NBUF]
        wsems = scratch[2 * NBUF:]
        wid = lax.axis_index("c") * (NUM_WORKERS // 2) + lax.axis_index("s")
        row = wid // wpr
        col = (wid % wpr) * per_worker
        pltpu.sync_copy(idx_hbm.at[row, pl.ds(col, per_worker)], idx_v)

        def start_gather(j):
            return pltpu.async_copy(
                table_hbm.at[idx_v.at[pl.ds(j * CHUNK, CHUNK)]],
                bufs[j % NBUF], gsems[j % NBUF])

        gds = [None] * nchunks
        wds = [None] * nchunks
        waited = [False] * nchunks
        for j in range(min(AHEAD, nchunks)):
            gds[j] = start_gather(j)
        for j in range(nchunks):
            gds[j].wait()
            wds[j] = pltpu.async_copy(
                bufs[j % NBUF],
                out_hbm.at[row, pl.ds(col + j * CHUNK, CHUNK)],
                wsems[j % NBUF])
            nxt = j + AHEAD
            if nxt < nchunks:
                if nxt >= NBUF:
                    wds[nxt - NBUF].wait()
                    waited[nxt - NBUF] = True
                gds[nxt] = start_gather(nxt)
        for j in range(nchunks):
            if not waited[j]:
                wds[j].wait()

    return gather_kernel


def kernel(time, pos_enc):
    if time.dtype != jnp.int32:
        time = time.astype(jnp.int32)
    nrows, ncols = time.shape
    return _make_gather(nrows, ncols, pos_enc.shape[1])(time, pos_enc)

# --- scband reference (transcript-rebuilt; emitter-appended) ---
"""Pipeline reference for scband-positional-encoder-5420248728072 (READ-ONLY COPY).

The authoritative reference and input builder live on the scoring server;
editing this copy changes nothing except your own understanding.
"""

import jax, jax.numpy as jnp
import numpy as np

EMBED_SIZE = 1024
MIN_FREQ = 0.0001
MAX_SEQ_LEN = 8192

def _build_pos_enc():
    position = jnp.arange(MAX_SEQ_LEN, dtype=jnp.float32)
    idx = jnp.arange(EMBED_SIZE, dtype=jnp.float32)
    freqs = MIN_FREQ ** (2.0 * jnp.floor(idx / 2.0) / EMBED_SIZE)
    pos_enc = position.reshape(-1, 1) * freqs.reshape(1, -1)
    even = jnp.cos(pos_enc[:, ::2])
    odd = jnp.sin(pos_enc[:, 1::2])
    pos_enc = pos_enc.at[:, ::2].set(even)
    pos_enc = pos_enc.at[:, 1::2].set(odd)
    return pos_enc

def setup_inputs(seed: int = 0) -> dict:
    key = jax.random.key(seed)
    time = jax.random.randint(key, (4, 2048), 0, MAX_SEQ_LEN, dtype=jnp.int64) if jax.config.jax_enable_x64 else jax.random.randint(key, (4, 2048), 0, MAX_SEQ_LEN, dtype=jnp.int32)
    pos_enc = _build_pos_enc()
    return {"time": time, "pos_enc": pos_enc}

def reference(time, pos_enc):
    # x = self.pos_enc[time, :]  -> row gather from the sinusoidal table
    x = jnp.take(pos_enc, time, axis=0)
    return x

if __name__ == "__main__":
    import jax
    _d = setup_inputs()
    print(jax.jit(kernel)(*tuple(_d.values())))

</pallas_src>

<mosaic_0001>
#map = affine_map<(d0, d1) -> (0, 0)>
#map1 = affine_map<(d0, d1) -> (0, 0, 0)>
module attributes {stable_mosaic.version = 14 : i64} {
  func.func @gather_kernel(%arg0: i32, %arg1: i32, %arg2: memref<4x2048xi32, #tpu.memory_space<hbm>>, %arg3: memref<8192x1024xf32, #tpu.memory_space<hbm>>, %arg4: memref<4x2048x1024xf32, #tpu.memory_space<hbm>>, %arg5: memref<256xi32, #tpu.memory_space<vmem>>, %arg6: memref<16x1024xf32, #tpu.memory_space<vmem>>, %arg7: memref<16x1024xf32, #tpu.memory_space<vmem>>, %arg8: memref<16x1024xf32, #tpu.memory_space<vmem>>, %arg9: memref<16x1024xf32, #tpu.memory_space<vmem>>, %arg10: memref<16x1024xf32, #tpu.memory_space<vmem>>, %arg11: memref<16x1024xf32, #tpu.memory_space<vmem>>, %arg12: memref<!tpu.dma_semaphore, #tpu.memory_space<semaphore_mem>>, %arg13: memref<!tpu.dma_semaphore, #tpu.memory_space<semaphore_mem>>, %arg14: memref<!tpu.dma_semaphore, #tpu.memory_space<semaphore_mem>>, %arg15: memref<!tpu.dma_semaphore, #tpu.memory_space<semaphore_mem>>, %arg16: memref<!tpu.dma_semaphore, #tpu.memory_space<semaphore_mem>>, %arg17: memref<!tpu.dma_semaphore, #tpu.memory_space<semaphore_mem>>, %arg18: memref<!tpu.dma_semaphore, #tpu.memory_space<semaphore_mem>>, %arg19: memref<!tpu.dma_semaphore, #tpu.memory_space<semaphore_mem>>, %arg20: memref<!tpu.dma_semaphore, #tpu.memory_space<semaphore_mem>>, %arg21: memref<!tpu.dma_semaphore, #tpu.memory_space<semaphore_mem>>, %arg22: memref<!tpu.dma_semaphore, #tpu.memory_space<semaphore_mem>>, %arg23: memref<!tpu.dma_semaphore, #tpu.memory_space<semaphore_mem>>) attributes {dimension_semantics = [#tpu.dimension_semantics<core_parallel>, #tpu.dimension_semantics<subcore_parallel>], iteration_bounds = array<i64: 2, 16>, scalar_prefetch = 0 : i64, scratch_operands = 19 : i64, tpu.core_type = #tpu.core_type<sc_vector_subcore>, window_params = [{transform_indices = #map}, {transform_indices = #map}, {transform_indices = #map1}]} {
    %mul3A = arith.constant 16 : i32
    %mul3A_0 = arith.muli %arg0, %mul3A : i32
    %add3A = arith.addi %mul3A_0, %arg1 : i32
    %jit3A = arith.constant 8 : i32
    %div3A = arith.divsi %add3A, %jit3A : i32
    %sign3A = arith.constant 0 : i32
    %sign3A_1 = arith.cmpi sgt, %add3A, %sign3A : i32
    %sign3A_2 = arith.extui %sign3A_1 : i1 to i32
    %sign3A_3 = arith.constant 0 : i32
    %sign3A_4 = arith.cmpi slt, %add3A, %sign3A_3 : i32
    %sign3A_5 = arith.extui %sign3A_4 : i1 to i32
    %sign3A_6 = arith.subi %sign3A_2, %sign3A_5 : i32
    %sign3A_7 = arith.constant 0 : i32
    %sign3A_8 = arith.cmpi sgt, %jit3A, %sign3A_7 : i32
    %sign3A_9 = arith.extui %sign3A_8 : i1 to i32
    %sign3A_10 = arith.constant 0 : i32
    %sign3A_11 = arith.cmpi slt, %jit3A, %sign3A_10 : i32
    %sign3A_12 = arith.extui %sign3A_11 : i1 to i32
    %sign3A_13 = arith.subi %sign3A_9, %sign3A_12 : i32
    %ne3A = arith.cmpi ne, %sign3A_6, %sign3A_13 : i32
    %rem3A = arith.remsi %add3A, %jit3A : i32
    %ne3A_14 = arith.constant 0 : i32
    %ne3A_15 = arith.cmpi ne, %rem3A, %ne3A_14 : i32
    %and3A = arith.andi %ne3A, %ne3A_15 : i1
    %sub3A = arith.constant 1 : i32
    %sub3A_16 = arith.subi %div3A, %sub3A : i32
    %select_n3A = arith.select %and3A, %sub3A_16, %div3A : i32
    %jit3A_17 = arith.constant 8 : i32
    %eq3A = arith.constant 0 : i32
    %eq3A_18 = arith.cmpi eq, %jit3A_17, %eq3A : i32
    %jit3A_19 = arith.constant 1 : i32
    %select_n3A_20 = arith.select %eq3A_18, %jit3A_19, %jit3A_17 : i32
    %rem3A_21 = arith.remsi %add3A, %select_n3A_20 : i32
    %ne3A_22 = arith.constant 0 : i32
    %ne3A_23 = arith.cmpi ne, %rem3A_21, %ne3A_22 : i32
    %lt3A = arith.constant 0 : i32
    %lt3A_24 = arith.cmpi slt, %rem3A_21, %lt3A : i32
    %lt3A_25 = arith.constant 0 : i32
    %lt3A_26 = arith.cmpi slt, %select_n3A_20, %lt3A_25 : i32
    %ne3A_27 = arith.xori %lt3A_24, %lt3A_26 : i1
    %and3A_28 = arith.andi %ne3A_27, %ne3A_23 : i1
    %add3A_29 = arith.addi %rem3A_21, %select_n3A_20 : i32
    %select_n3A_30 = arith.select %and3A_28, %add3A_29, %rem3A_21 : i32
    %mul3A_31 = arith.constant 256 : i32
    %mul3A_32 = arith.muli %select_n3A_30, %mul3A_31 : i32
    "tpu.region"() ({
      %run_scoped3A = tpu.sem_alloc : memref<!tpu.dma_semaphore, #tpu.memory_space<semaphore_mem>>
      %dma_start3A_415 = tpu.memref_slice %arg2[%select_n3A, %mul3A_32] : memref<4x2048xi32, #tpu.memory_space<hbm>> -> memref<1x256xi32, #tpu.memory_space<hbm>>
      %dma_start3A_416 = tpu.memref_squeeze %dma_start3A_415 : memref<1x256xi32, #tpu.memory_space<hbm>> -> memref<256xi32, #tpu.memory_space<hbm>>
      %dma_start3A_417 = tpu.memref_slice %arg2[%select_n3A, %mul3A_32] : memref<4x2048xi32, #tpu.memory_space<hbm>> -> memref<1x256xi32, #tpu.memory_space<hbm>>
      %dma_start3A_418 = tpu.memref_squeeze %dma_start3A_417 : memref<1x256xi32, #tpu.memory_space<hbm>> -> memref<256xi32, #tpu.memory_space<hbm>>
      tpu.enqueue_dma source(%dma_start3A_418 : memref<256xi32, #tpu.memory_space<hbm>>) target(%arg5 : memref<256xi32, #tpu.memory_space<vmem>>) target_semaphore(%run_scoped3A : memref<!tpu.dma_semaphore, #tpu.memory_space<semaphore_mem>>)
      %dma_wait3A_419 = tpu.memref_slice %arg2[%select_n3A, %mul3A_32] : memref<4x2048xi32, #tpu.memory_space<hbm>> -> memref<1x256xi32, #tpu.memory_space<hbm>>
      %dma_wait3A_420 = tpu.memref_squeeze %dma_wait3A_419 : memref<1x256xi32, #tpu.memory_space<hbm>> -> memref<256xi32, #tpu.memory_space<hbm>>
      %dma_wait3A_421 = tpu.memref_slice %arg2[%select_n3A, %mul3A_32] : memref<4x2048xi32, #tpu.memory_space<hbm>> -> memref<1x256xi32, #tpu.memory_space<hbm>>
      %dma_wait3A_422 = tpu.memref_squeeze %dma_wait3A_421 : memref<1x256xi32, #tpu.memory_space<hbm>> -> memref<256xi32, #tpu.memory_space<hbm>>
      tpu.wait_dma2 semaphore(%run_scoped3A : memref<!tpu.dma_semaphore, #tpu.memory_space<semaphore_mem>>) src(%dma_wait3A_422 : memref<256xi32, #tpu.memory_space<hbm>>) dst(%arg5 : memref<256xi32, #tpu.memory_space<vmem>>)
      tpu.yield
    }) : () -> ()
    %dma_start3A = arith.constant 0 : i32
    %dma_start3A_33 = tpu.memref_slice %arg5[%dma_start3A] : memref<256xi32, #tpu.memory_space<vmem>> -> memref<16xi32, #tpu.memory_space<vmem>>
    %dma_start3A_34 = arith.constant 0 : i32
    %dma_start3A_35 = arith.constant 0 : i32
    %dma_start3A_36 = tpu.memref_slice %arg3[%dma_start3A_34, %dma_start3A_35] : memref<8192x1024xf32, #tpu.memory_space<hbm>> -> memref<8192x1024xf32, #tpu.memory_space<hbm>>
    tpu.enqueue_indirect_dma source(%dma_start3A_36 : memref<8192x1024xf32, #tpu.memory_space<hbm>>) target(%arg6 : memref<16x1024xf32, #tpu.memory_space<vmem>>) offsets(%dma_start3A_33 : memref<16xi32, #tpu.memory_space<vmem>>) semaphore(%arg12 : memref<!tpu.dma_semaphore, #tpu.memory_space<semaphore_mem>>)
    %dma_start3A_37 = arith.constant 16 : i32
    %dma_start3A_38 = tpu.memref_slice %arg5[%dma_start3A_37] : memref<256xi32, #tpu.memory_space<vmem>> -> memref<16xi32, #tpu.memory_space<vmem>>
    %dma_start3A_39 = arith.constant 0 : i32
    %dma_start3A_40 = arith.constant 0 : i32
    %dma_start3A_41 = tpu.memref_slice %arg3[%dma_start3A_39, %dma_start3A_40] : memref<8192x1024xf32, #tpu.memory_space<hbm>> -> memref<8192x1024xf32, #tpu.memory_space<hbm>>
    tpu.enqueue_indirect_dma source(%dma_start3A_41 : memref<8192x1024xf32, #tpu.memory_space<hbm>>) target(%arg7 : memref<16x1024xf32, #tpu.memory_space<vmem>>) offsets(%dma_start3A_38 : memref<16xi32, #tpu.memory_space<vmem>>) semaphore(%arg13 : memref<!tpu.dma_semaphore, #tpu.memory_space<semaphore_mem>>)
    %dma_start3A_42 = arith.constant 32 : i32
    %dma_start3A_43 = tpu.memref_slice %arg5[%dma_start3A_42] : memref<256xi32, #tpu.memory_space<vmem>> -> memref<16xi32, #tpu.memory_space<vmem>>
    %dma_start3A_44 = arith.constant 0 : i32
    %dma_start3A_45 = arith.constant 0 : i32
    %dma_start3A_46 = tpu.memref_slice %arg3[%dma_start3A_44, %dma_start3A_45] : memref<8192x1024xf32, #tpu.memory_space<hbm>> -> memref<8192x1024xf32, #tpu.memory_space<hbm>>
    tpu.enqueue_indirect_dma source(%dma_start3A_46 : memref<8192x1024xf32, #tpu.memory_space<hbm>>) target(%arg8 : memref<16x1024xf32, #tpu.memory_space<vmem>>) offsets(%dma_start3A_43 : memref<16xi32, #tpu.memory_space<vmem>>) semaphore(%arg14 : memref<!tpu.dma_semaphore, #tpu.memory_space<semaphore_mem>>)
    %dma_start3A_47 = arith.constant 48 : i32
    %dma_start3A_48 = tpu.memref_slice %arg5[%dma_start3A_47] : memref<256xi32, #tpu.memory_space<vmem>> -> memref<16xi32, #tpu.memory_space<vmem>>
    %dma_start3A_49 = arith.constant 0 : i32
    %dma_start3A_50 = arith.constant 0 : i32
    %dma_start3A_51 = tpu.memref_slice %arg3[%dma_start3A_49, %dma_start3A_50] : memref<8192x1024xf32, #tpu.memory_space<hbm>> -> memref<8192x1024xf32, #tpu.memory_space<hbm>>
    tpu.enqueue_indirect_dma source(%dma_start3A_51 : memref<8192x1024xf32, #tpu.memory_space<hbm>>) target(%arg9 : memref<16x1024xf32, #tpu.memory_space<vmem>>) offsets(%dma_start3A_48 : memref<16xi32, #tpu.memory_space<vmem>>) semaphore(%arg15 : memref<!tpu.dma_semaphore, #tpu.memory_space<semaphore_mem>>)
    %dma_start3A_52 = arith.constant 64 : i32
    %dma_start3A_53 = tpu.memref_slice %arg5[%dma_start3A_52] : memref<256xi32, #tpu.memory_space<vmem>> -> memref<16xi32, #tpu.memory_space<vmem>>
    %dma_start3A_54 = arith.constant 0 : i32
    %dma_start3A_55 = arith.constant 0 : i32
    %dma_start3A_56 = tpu.memref_slice %arg3[%dma_start3A_54, %dma_start3A_55] : memref<8192x1024xf32, #tpu.memory_space<hbm>> -> memref<8192x1024xf32, #tpu.memory_space<hbm>>
    tpu.enqueue_indirect_dma source(%dma_start3A_56 : memref<8192x1024xf32, #tpu.memory_space<hbm>>) target(%arg10 : memref<16x1024xf32, #tpu.memory_space<vmem>>) offsets(%dma_start3A_53 : memref<16xi32, #tpu.memory_space<vmem>>) semaphore(%arg16 : memref<!tpu.dma_semaphore, #tpu.memory_space<semaphore_mem>>)
    %dma_start3A_57 = arith.constant 80 : i32
    %dma_start3A_58 = tpu.memref_slice %arg5[%dma_start3A_57] : memref<256xi32, #tpu.memory_space<vmem>> -> memref<16xi32, #tpu.memory_space<vmem>>
    %dma_start3A_59 = arith.constant 0 : i32
    %dma_start3A_60 = arith.constant 0 : i32
    %dma_start3A_61 = tpu.memref_slice %arg3[%dma_start3A_59, %dma_start3A_60] : memref<8192x1024xf32, #tpu.memory_space<hbm>> -> memref<8192x1024xf32, #tpu.memory_space<hbm>>
    tpu.enqueue_indirect_dma source(%dma_start3A_61 : memref<8192x1024xf32, #tpu.memory_space<hbm>>) target(%arg11 : memref<16x1024xf32, #tpu.memory_space<vmem>>) offsets(%dma_start3A_58 : memref<16xi32, #tpu.memory_space<vmem>>) semaphore(%arg17 : memref<!tpu.dma_semaphore, #tpu.memory_space<semaphore_mem>>)
    %dma_wait3A = arith.constant 0 : i32
    %dma_wait3A_62 = tpu.memref_slice %arg5[%dma_wait3A] : memref<256xi32, #tpu.memory_space<vmem>> -> memref<16xi32, #tpu.memory_space<vmem>>
    %dma_wait3A_63 = arith.constant 0 : i32
    %dma_wait3A_64 = arith.constant 0 : i32
    %dma_wait3A_65 = tpu.memref_slice %arg3[%dma_wait3A_63, %dma_wait3A_64] : memref<8192x1024xf32, #tpu.memory_space<hbm>> -> memref<8192x1024xf32, #tpu.memory_space<hbm>>
    tpu.wait_indirect_dma semaphore(%arg12 : memref<!tpu.dma_semaphore, #tpu.memory_space<semaphore_mem>>) src(%dma_wait3A_65 : memref<8192x1024xf32, #tpu.memory_space<hbm>>) dst(%arg6 : memref<16x1024xf32, #tpu.memory_space<vmem>>)
    %add3A_66 = arith.constant 0 : i32
    %add3A_67 = arith.addi %mul3A_32, %add3A_66 : i32
    %dma_start3A_68 = arith.constant 0 : i32
    %dma_start3A_69 = tpu.memref_slice %arg4[%select_n3A, %add3A_67, %dma_start3A_68] : memref<4x2048x1024xf32, #tpu.memory_space<hbm>> -> memref<1x16x1024xf32, #tpu.memory_space<hbm>>
    %dma_start3A_70 = tpu.memref_squeeze %dma_start3A_69 : memref<1x16x1024xf32, #tpu.memory_space<hbm>> -> memref<16x1024xf32, #tpu.memory_space<hbm>>
    %dma_start3A_71 = arith.constant 0 : i32
    %dma_start3A_72 = tpu.memref_slice %arg4[%select_n3A, %add3A_67, %dma_start3A_71] : memref<4x2048x1024xf32, #tpu.memory_space<hbm>> -> memref<1x16x1024xf32, #tpu.memory_space<hbm>>
    %dma_start3A_73 = tpu.memref_squeeze %dma_start3A_72 : memref<1x16x1024xf32, #tpu.memory_space<hbm>> -> memref<16x1024xf32, #tpu.memory_space<hbm>>
    tpu.enqueue_dma source(%arg6 : memref<16x1024xf32, #tpu.memory_space<vmem>>) target(%dma_start3A_73 : memref<16x1024xf32, #tpu.memory_space<hbm>>) target_semaphore(%arg18 : memref<!tpu.dma_semaphore, #tpu.memory_space<semaphore_mem>>)
    %dma_wait3A_74 = arith.constant 0 : i32
    %dma_wait3A_75 = tpu.memref_slice %arg4[%select_n3A, %add3A_67, %dma_wait3A_74] : memref<4x2048x1024xf32, #tpu.memory_space<hbm>> -> memref<1x16x1024xf32, #tpu.memory_space<hbm>>
    %dma_wait3A_76 = tpu.memref_squeeze %dma_wait3A_75 : memref<1x16x1024xf32, #tpu.memory_space<hbm>> -> memref<16x1024xf32, #tpu.memory_space<hbm>>
    %dma_wait3A_77 = arith.constant 0 : i32
    %dma_wait3A_78 = tpu.memref_slice %arg4[%select_n3A, %add3A_67, %dma_wait3A_77] : memref<4x2048x1024xf32, #tpu.memory_space<hbm>> -> memref<1x16x1024xf32, #tpu.memory_space<hbm>>
    %dma_wait3A_79 = tpu.memref_squeeze %dma_wait3A_78 : memref<1x16x1024xf32, #tpu.memory_space<hbm>> -> memref<16x1024xf32, #tpu.memory_space<hbm>>
    tpu.wait_dma2 semaphore(%arg18 : memref<!tpu.dma_semaphore, #tpu.memory_space<semaphore_mem>>) src(%arg6 : memref<16x1024xf32, #tpu.memory_space<vmem>>) dst(%dma_wait3A_79 : memref<16x1024xf32, #tpu.memory_space<hbm>>)
    %dma_start3A_80 = arith.constant 96 : i32
    %dma_start3A_81 = tpu.memref_slice %arg5[%dma_start3A_80] : memref<256xi32, #tpu.memory_space<vmem>> -> memref<16xi32, #tpu.memory_space<vmem>>
    %dma_start3A_82 = arith.constant 0 : i32
    %dma_start3A_83 = arith.constant 0 : i32
    %dma_start3A_84 = tpu.memref_slice %arg3[%dma_start3A_82, %dma_start3A_83] : memref<8192x1024xf32, #tpu.memory_space<hbm>> -> memref<8192x1024xf32, #tpu.memory_space<hbm>>
    tpu.enqueue_indirect_dma source(%dma_start3A_84 : memref<8192x1024xf32, #tpu.memory_space<hbm>>) target(%arg6 : memref<16x1024xf32, #tpu.memory_space<vmem>>) offsets(%dma_start3A_81 : memref<16xi32, #tpu.memory_space<vmem>>) semaphore(%arg12 : memref<!tpu.dma_semaphore, #tpu.memory_space<semaphore_mem>>)
    %dma_wait3A_85 = arith.constant 16 : i32
    %dma_wait3A_86 = tpu.memref_slice %arg5[%dma_wait3A_85] : memref<256xi32, #tpu.memory_space<vmem>> -> memref<16xi32, #tpu.memory_space<vmem>>
    %dma_wait3A_87 = arith.constant 0 : i32
    %dma_wait3A_88 = arith.constant 0 : i32
    %dma_wait3A_89 = tpu.memref_slice %arg3[%dma_wait3A_87, %dma_wait3A_88] : memref<8192x1024xf32, #tpu.memory_space<hbm>> -> memref<8192x1024xf32, #tpu.memory_space<hbm>>
    tpu.wait_indirect_dma semaphore(%arg13 : memref<!tpu.dma_semaphore, #tpu.memory_space<semaphore_mem>>) src(%dma_wait3A_89 : memref<8192x1024xf32, #tpu.memory_space<hbm>>) dst(%arg7 : memref<16x1024xf32, #tpu.memory_space<vmem>>)
    %add3A_90 = arith.constant 16 : i32
    %add3A_91 = arith.addi %mul3A_32, %add3A_90 : i32
    %dma_start3A_92 = arith.constant 0 : i32
    %dma_start3A_93 = tpu.memref_slice %arg4[%select_n3A, %add3A_91, %dma_start3A_92] : memref<4x2048x1024xf32, #tpu.memory_space<hbm>> -> memref<1x16x1024xf32, #tpu.memory_space<hbm>>
    %dma_start3A_94 = tpu.memref_squeeze %dma_start3A_93 : memref<1x16x1024xf32, #tpu.memory_space<hbm>> -> memref<16x1024xf32, #tpu.memory_space<hbm>>
    %dma_start3A_95 = arith.constant 0 : i32
    %dma_start3A_96 = tpu.memref_slice %arg4[%select_n3A, %add3A_91, %dma_start3A_95] : memref<4x2048x1024xf32, #tpu.memory_space<hbm>> -> memref<1x16x1024xf32, #tpu.memory_space<hbm>>
    %dma_start3A_97 = tpu.memref_squeeze %dma_start3A_96 : memref<1x16x1024xf32, #tpu.memory_space<hbm>> -> memref<16x1024xf32, #tpu.memory_space<hbm>>
    tpu.enqueue_dma source(%arg7 : memref<16x1024xf32, #tpu.memory_space<vmem>>) target(%dma_start3A_97 : memref<16x1024xf32, #tpu.memory_space<hbm>>) target_semaphore(%arg19 : memref<!tpu.dma_semaphore, #tpu.memory_space<semaphore_mem>>)
    %dma_wait3A_98 = arith.constant 0 : i32
    %dma_wait3A_99 = tpu.memref_slice %arg4[%select_n3A, %add3A_91, %dma_wait3A_98] : memref<4x2048x1024xf32, #tpu.memory_space<hbm>> -> memref<1x16x1024xf32, #tpu.memory_space<hbm>>
    %dma_wait3A_100 = tpu.memref_squeeze %dma_wait3A_99 : memref<1x16x1024xf32, #tpu.memory_space<hbm>> -> memref<16x1024xf32, #tpu.memory_space<hbm>>
    %dma_wait3A_101 = arith.constant 0 : i32
    %dma_wait3A_102 = tpu.memref_slice %arg4[%select_n3A, %add3A_91, %dma_wait3A_101] : memref<4x2048x1024xf32, #tpu.memory_space<hbm>> -> memref<1x16x1024xf32, #tpu.memory_space<hbm>>
    %dma_wait3A_103 = tpu.memref_squeeze %dma_wait3A_102 : memref<1x16x1024xf32, #tpu.memory_space<hbm>> -> memref<16x1024xf32, #tpu.memory_space<hbm>>
    tpu.wait_dma2 semaphore(%arg19 : memref<!tpu.dma_semaphore, #tpu.memory_space<semaphore_mem>>) src(%arg7 : memref<16x1024xf32, #tpu.memory_space<vmem>>) dst(%dma_wait3A_103 : memref<16x1024xf32, #tpu.memory_space<hbm>>)
    %dma_start3A_104 = arith.constant 112 : i32
    %dma_start3A_105 = tpu.memref_slice %arg5[%dma_start3A_104] : memref<256xi32, #tpu.memory_space<vmem>> -> memref<16xi32, #tpu.memory_space<vmem>>
    %dma_start3A_106 = arith.constant 0 : i32
    %dma_start3A_107 = arith.constant 0 : i32
    %dma_start3A_108 = tpu.memref_slice %arg3[%dma_start3A_106, %dma_start3A_107] : memref<8192x1024xf32, #tpu.memory_space<hbm>> -> memref<8192x1024xf32, #tpu.memory_space<hbm>>
    tpu.enqueue_indirect_dma source(%dma_start3A_108 : memref<8192x1024xf32, #tpu.memory_space<hbm>>) target(%arg7 : memref<16x1024xf32, #tpu.memory_space<vmem>>) offsets(%dma_start3A_105 : memref<16xi32, #tpu.memory_space<vmem>>) semaphore(%arg13 : memref<!tpu.dma_semaphore, #tpu.memory_space<semaphore_mem>>)
    %dma_wait3A_109 = arith.constant 32 : i32
    %dma_wait3A_110 = tpu.memref_slice %arg5[%dma_wait3A_109] : memref<256xi32, #tpu.memory_space<vmem>> -> memref<16xi32, #tpu.memory_space<vmem>>
    %dma_wait3A_111 = arith.constant 0 : i32
    %dma_wait3A_112 = arith.constant 0 : i32
    %dma_wait3A_113 = tpu.memref_slice %arg3[%dma_wait3A_111, %dma_wait3A_112] : memref<8192x1024xf32, #tpu.memory_space<hbm>> -> memref<8192x1024xf32, #tpu.memory_space<hbm>>
    tpu.wait_indirect_dma semaphore(%arg14 : memref<!tpu.dma_semaphore, #tpu.memory_space<semaphore_mem>>) src(%dma_wait3A_113 : memref<8192x1024xf32, #tpu.memory_space<hbm>>) dst(%arg8 : memref<16x1024xf32, #tpu.memory_space<vmem>>)
    %add3A_114 = arith.constant 32 : i32
    %add3A_115 = arith.addi %mul3A_32, %add3A_114 : i32
    %dma_start3A_116 = arith.constant 0 : i32
    %dma_start3A_117 = tpu.memref_slice %arg4[%select_n3A, %add3A_115, %dma_start3A_116] : memref<4x2048x1024xf32, #tpu.memory_space<hbm>> -> memref<1x16x1024xf32, #tpu.memory_space<hbm>>
    %dma_start3A_118 = tpu.memref_squeeze %dma_start3A_117 : memref<1x16x1024xf32, #tpu.memory_space<hbm>> -> memref<16x1024xf32, #tpu.memory_space<hbm>>
    %dma_start3A_119 = arith.constant 0 : i32
    %dma_start3A_120 = tpu.memref_slice %arg4[%select_n3A, %add3A_115, %dma_start3A_119] : memref<4x2048x1024xf32, #tpu.memory_space<hbm>> -> memref<1x16x1024xf32, #tpu.memory_space<hbm>>
    %dma_start3A_121 = tpu.memref_squeeze %dma_start3A_120 : memref<1x16x1024xf32, #tpu.memory_space<hbm>> -> memref<16x1024xf32, #tpu.memory_space<hbm>>
    tpu.enqueue_dma source(%arg8 : memref<16x1024xf32, #tpu.memory_space<vmem>>) target(%dma_start3A_121 : memref<16x1024xf32, #tpu.memory_space<hbm>>) target_semaphore(%arg20 : memref<!tpu.dma_semaphore, #tpu.memory_space<semaphore_mem>>)
    %dma_wait3A_122 = arith.constant 0 : i32
    %dma_wait3A_123 = tpu.memref_slice %arg4[%select_n3A, %add3A_115, %dma_wait3A_122] : memref<4x2048x1024xf32, #tpu.memory_space<hbm>> -> memref<1x16x1024xf32, #tpu.memory_space<hbm>>
    %dma_wait3A_124 = tpu.memref_squeeze %dma_wait3A_123 : memref<1x16x1024xf32, #tpu.memory_space<hbm>> -> memref<16x1024xf32, #tpu.memory_space<hbm>>
    %dma_wait3A_125 = arith.constant 0 : i32
    %dma_wait3A_126 = tpu.memref_slice %arg4[%select_n3A, %add3A_115, %dma_wait3A_125] : memref<4x2048x1024xf32, #tpu.memory_space<hbm>> -> memref<1x16x1024xf32, #tpu.memory_space<hbm>>
    %dma_wait3A_127 = tpu.memref_squeeze %dma_wait3A_126 : memref<1x16x1024xf32, #tpu.memory_space<hbm>> -> memref<16x1024xf32, #tpu.memory_space<hbm>>
    tpu.wait_dma2 semaphore(%arg20 : memref<!tpu.dma_semaphore, #tpu.memory_space<semaphore_mem>>) src(%arg8 : memref<16x1024xf32, #tpu.memory_space<vmem>>) dst(%dma_wait3A_127 : memref<16x1024xf32, #tpu.memory_space<hbm>>)
    %dma_start3A_128 = arith.constant 128 : i32
    %dma_start3A_129 = tpu.memref_slice %arg5[%dma_start3A_128] : memref<256xi32, #tpu.memory_space<vmem>> -> memref<16xi32, #tpu.memory_space<vmem>>
    %dma_start3A_130 = arith.constant 0 : i32
    %dma_start3A_131 = arith.constant 0 : i32
    %dma_start3A_132 = tpu.memref_slice %arg3[%dma_start3A_130, %dma_start3A_131] : memref<8192x1024xf32, #tpu.memory_space<hbm>> -> memref<8192x1024xf32, #tpu.memory_space<hbm>>
    tpu.enqueue_indirect_dma source(%dma_start3A_132 : memref<8192x1024xf32, #tpu.memory_space<hbm>>) target(%arg8 : memref<16x1024xf32, #tpu.memory_space<vmem>>) offsets(%dma_start3A_129 : memref<16xi32, #tpu.memory_space<vmem>>) semaphore(%arg14 : memref<!tpu.dma_semaphore, #tpu.memory_space<semaphore_mem>>)
    %dma_wait3A_133 = arith.constant 48 : i32
    %dma_wait3A_134 = tpu.memref_slice %arg5[%dma_wait3A_133] : memref<256xi32, #tpu.memory_space<vmem>> -> memref<16xi32, #tpu.memory_space<vmem>>
    %dma_wait3A_135 = arith.constant 0 : i32
    %dma_wait3A_136 = arith.constant 0 : i32
    %dma_wait3A_137 = tpu.memref_slice %arg3[%dma_wait3A_135, %dma_wait3A_136] : memref<8192x1024xf32, #tpu.memory_space<hbm>> -> memref<8192x1024xf32, #tpu.memory_space<hbm>>
    tpu.wait_indirect_dma semaphore(%arg15 : memref<!tpu.dma_semaphore, #tpu.memory_space<semaphore_mem>>) src(%dma_wait3A_137 : memref<8192x1024xf32, #tpu.memory_space<hbm>>) dst(%arg9 : memref<16x1024xf32, #tpu.memory_space<vmem>>)
    %add3A_138 = arith.constant 48 : i32
    %add3A_139 = arith.addi %mul3A_32, %add3A_138 : i32
    %dma_start3A_140 = arith.constant 0 : i32
    %dma_start3A_141 = tpu.memref_slice %arg4[%select_n3A, %add3A_139, %dma_start3A_140] : memref<4x2048x1024xf32, #tpu.memory_space<hbm>> -> memref<1x16x1024xf32, #tpu.memory_space<hbm>>
    %dma_start3A_142 = tpu.memref_squeeze %dma_start3A_141 : memref<1x16x1024xf32, #tpu.memory_space<hbm>> -> memref<16x1024xf32, #tpu.memory_space<hbm>>
    %dma_start3A_143 = arith.constant 0 : i32
    %dma_start3A_144 = tpu.memref_slice %arg4[%select_n3A, %add3A_139, %dma_start3A_143] : memref<4x2048x1024xf32, #tpu.memory_space<hbm>> -> memref<1x16x1024xf32, #tpu.memory_space<hbm>>
    %dma_start3A_145 = tpu.memref_squeeze %dma_start3A_144 : memref<1x16x1024xf32, #tpu.memory_space<hbm>> -> memref<16x1024xf32, #tpu.memory_space<hbm>>
    tpu.enqueue_dma source(%arg9 : memref<16x1024xf32, #tpu.memory_space<vmem>>) target(%dma_start3A_145 : memref<16x1024xf32, #tpu.memory_space<hbm>>) target_semaphore(%arg21 : memref<!tpu.dma_semaphore, #tpu.memory_space<semaphore_mem>>)
    %dma_wait3A_146 = arith.constant 0 : i32
    %dma_wait3A_147 = tpu.memref_slice %arg4[%select_n3A, %add3A_139, %dma_wait3A_146] : memref<4x2048x1024xf32, #tpu.memory_space<hbm>> -> memref<1x16x1024xf32, #tpu.memory_space<hbm>>
    %dma_wait3A_148 = tpu.memref_squeeze %dma_wait3A_147 : memref<1x16x1024xf32, #tpu.memory_space<hbm>> -> memref<16x1024xf32, #tpu.memory_space<hbm>>
    %dma_wait3A_149 = arith.constant 0 : i32
    %dma_wait3A_150 = tpu.memref_slice %arg4[%select_n3A, %add3A_139, %dma_wait3A_149] : memref<4x2048x1024xf32, #tpu.memory_space<hbm>> -> memref<1x16x1024xf32, #tpu.memory_space<hbm>>
    %dma_wait3A_151 = tpu.memref_squeeze %dma_wait3A_150 : memref<1x16x1024xf32, #tpu.memory_space<hbm>> -> memref<16x1024xf32, #tpu.memory_space<hbm>>
    tpu.wait_dma2 semaphore(%arg21 : memref<!tpu.dma_semaphore, #tpu.memory_space<semaphore_mem>>) src(%arg9 : memref<16x1024xf32, #tpu.memory_space<vmem>>) dst(%dma_wait3A_151 : memref<16x1024xf32, #tpu.memory_space<hbm>>)
    %dma_start3A_152 = arith.constant 144 : i32
    %dma_start3A_153 = tpu.memref_slice %arg5[%dma_start3A_152] : memref<256xi32, #tpu.memory_space<vmem>> -> memref<16xi32, #tpu.memory_space<vmem>>
    %dma_start3A_154 = arith.constant 0 : i32
    %dma_start3A_155 = arith.constant 0 : i32
    %dma_start3A_156 = tpu.memref_slice %arg3[%dma_start3A_154, %dma_start3A_155] : memref<8192x1024xf32, #tpu.memory_space<hbm>> -> memref<8192x1024xf32, #tpu.memory_space<hbm>>
    tpu.enqueue_indirect_dma source(%dma_start3A_156 : memref<8192x1024xf32, #tpu.memory_space<hbm>>) target(%arg9 : memref<16x1024xf32, #tpu.memory_space<vmem>>) offsets(%dma_start3A_153 : memref<16xi32, #tpu.memory_space<vmem>>) semaphore(%arg15 : memref<!tpu.dma_semaphore, #tpu.memory_space<semaphore_mem>>)
    %dma_wait3A_157 = arith.constant 64 : i32
    %dma_wait3A_158 = tpu.memref_slice %arg5[%dma_wait3A_157] : memref<256xi32, #tpu.memory_space<vmem>> -> memref<16xi32, #tpu.memory_space<vmem>>
    %dma_wait3A_159 = arith.constant 0 : i32
    %dma_wait3A_160 = arith.constant 0 : i32
    %dma_wait3A_161 = tpu.memref_slice %arg3[%dma_wait3A_159, %dma_wait3A_160] : memref<8192x1024xf32, #tpu.memory_space<hbm>> -> memref<8192x1024xf32, #tpu.memory_space<hbm>>
    tpu.wait_indirect_dma semaphore(%arg16 : memref<!tpu.dma_semaphore, #tpu.memory_space<semaphore_mem>>) src(%dma_wait3A_161 : memref<8192x1024xf32, #tpu.memory_space<hbm>>) dst(%arg10 : memref<16x1024xf32, #tpu.memory_space<vmem>>)
    %add3A_162 = arith.constant 64 : i32
    %add3A_163 = arith.addi %mul3A_32, %add3A_162 : i32
    %dma_start3A_164 = arith.constant 0 : i32
    %dma_start3A_165 = tpu.memref_slice %arg4[%select_n3A, %add3A_163, %dma_start3A_164] : memref<4x2048x1024xf32, #tpu.memory_space<hbm>> -> memref<1x16x1024xf32, #tpu.memory_space<hbm>>
    %dma_start3A_166 = tpu.memref_squeeze %dma_start3A_165 : memref<1x16x1024xf32, #tpu.memory_space<hbm>> -> memref<16x1024xf32, #tpu.memory_space<hbm>>
    %dma_start3A_167 = arith.constant 0 : i32
    %dma_start3A_168 = tpu.memref_slice %arg4[%select_n3A, %add3A_163, %dma_start3A_167] : memref<4x2048x1024xf32, #tpu.memory_space<hbm>> -> memref<1x16x1024xf32, #tpu.memory_space<hbm>>
    %dma_start3A_169 = tpu.memref_squeeze %dma_start3A_168 : memref<1x16x1024xf32, #tpu.memory_space<hbm>> -> memref<16x1024xf32, #tpu.memory_space<hbm>>
    tpu.enqueue_dma source(%arg10 : memref<16x1024xf32, #tpu.memory_space<vmem>>) target(%dma_start3A_169 : memref<16x1024xf32, #tpu.memory_space<hbm>>) target_semaphore(%arg22 : memref<!tpu.dma_semaphore, #tpu.memory_space<semaphore_mem>>)
    %dma_wait3A_170 = arith.constant 0 : i32
    %dma_wait3A_171 = tpu.memref_slice %arg4[%select_n3A, %add3A_163, %dma_wait3A_170] : memref<4x2048x1024xf32, #tpu.memory_space<hbm>> -> memref<1x16x1024xf32, #tpu.memory_space<hbm>>
    %dma_wait3A_172 = tpu.memref_squeeze %dma_wait3A_171 : memref<1x16x1024xf32, #tpu.memory_space<hbm>> -> memref<16x1024xf32, #tpu.memory_space<hbm>>
    %dma_wait3A_173 = arith.constant 0 : i32
    %dma_wait3A_174 = tpu.memref_slice %arg4[%select_n3A, %add3A_163, %dma_wait3A_173] : memref<4x2048x1024xf32, #tpu.memory_space<hbm>> -> memref<1x16x1024xf32, #tpu.memory_space<hbm>>
    %dma_wait3A_175 = tpu.memref_squeeze %dma_wait3A_174 : memref<1x16x1024xf32, #tpu.memory_space<hbm>> -> memref<16x1024xf32, #tpu.memory_space<hbm>>
    tpu.wait_dma2 semaphore(%arg22 : memref<!tpu.dma_semaphore, #tpu.memory_space<semaphore_mem>>) src(%arg10 : memref<16x1024xf32, #tpu.memory_space<vmem>>) dst(%dma_wait3A_175 : memref<16x1024xf32, #tpu.memory_space<hbm>>)
    %dma_start3A_176 = arith.constant 160 : i32
    %dma_start3A_177 = tpu.memref_slice %arg5[%dma_start3A_176] : memref<256xi32, #tpu.memory_space<vmem>> -> memref<16xi32, #tpu.memory_space<vmem>>
    %dma_start3A_178 = arith.constant 0 : i32
    %dma_start3A_179 = arith.constant 0 : i32
    %dma_start3A_180 = tpu.memref_slice %arg3[%dma_start3A_178, %dma_start3A_179] : memref<8192x1024xf32, #tpu.memory_space<hbm>> -> memref<8192x1024xf32, #tpu.memory_space<hbm>>
    tpu.enqueue_indirect_dma source(%dma_start3A_180 : memref<8192x1024xf32, #tpu.memory_space<hbm>>) target(%arg10 : memref<16x1024xf32, #tpu.memory_space<vmem>>) offsets(%dma_start3A_177 : memref<16xi32, #tpu.memory_space<vmem>>) semaphore(%arg16 : memref<!tpu.dma_semaphore, #tpu.memory_space<semaphore_mem>>)
    %dma_wait3A_181 = arith.constant 80 : i32
    %dma_wait3A_182 = tpu.memref_slice %arg5[%dma_wait3A_181] : memref<256xi32, #tpu.memory_space<vmem>> -> memref<16xi32, #tpu.memory_space<vmem>>
    %dma_wait3A_183 = arith.constant 0 : i32
    %dma_wait3A_184 = arith.constant 0 : i32
    %dma_wait3A_185 = tpu.memref_slice %arg3[%dma_wait3A_183, %dma_wait3A_184] : memref<8192x1024xf32, #tpu.memory_space<hbm>> -> memref<8192x1024xf32, #tpu.memory_space<hbm>>
    tpu.wait_indirect_dma semaphore(%arg17 : memref<!tpu.dma_semaphore, #tpu.memory_space<semaphore_mem>>) src(%dma_wait3A_185 : memref<8192x1024xf32, #tpu.memory_space<hbm>>) dst(%arg11 : memref<16x1024xf32, #tpu.memory_space<vmem>>)
    %add3A_186 = arith.constant 80 : i32
    %add3A_187 = arith.addi %mul3A_32, %add3A_186 : i32
    %dma_start3A_188 = arith.constant 0 : i32
    %dma_start3A_189 = tpu.memref_slice %arg4[%select_n3A, %add3A_187, %dma_start3A_188] : memref<4x2048x1024xf32, #tpu.memory_space<hbm>> -> memref<1x16x1024xf32, #tpu.memory_space<hbm>>
    %dma_start3A_190 = tpu.memref_squeeze %dma_start3A_189 : memref<1x16x1024xf32, #tpu.memory_space<hbm>> -> memref<16x1024xf32, #tpu.memory_space<hbm>>
    %dma_start3A_191 = arith.constant 0 : i32
    %dma_start3A_192 = tpu.memref_slice %arg4[%select_n3A, %add3A_187, %dma_start3A_191] : memref<4x2048x1024xf32, #tpu.memory_space<hbm>> -> memref<1x16x1024xf32, #tpu.memory_space<hbm>>
    %dma_start3A_193 = tpu.memref_squeeze %dma_start3A_192 : memref<1x16x1024xf32, #tpu.memory_space<hbm>> -> memref<16x1024xf32, #tpu.memory_space<hbm>>
    tpu.enqueue_dma source(%arg11 : memref<16x1024xf32, #tpu.memory_space<vmem>>) target(%dma_start3A_193 : memref<16x1024xf32, #tpu.memory_space<hbm>>) target_semaphore(%arg23 : memref<!tpu.dma_semaphore, #tpu.memory_space<semaphore_mem>>)
    %dma_wait3A_194 = arith.constant 0 : i32
    %dma_wait3A_195 = tpu.memref_slice %arg4[%select_n3A, %add3A_187, %dma_wait3A_194] : memref<4x2048x1024xf32, #tpu.memory_space<hbm>> -> memref<1x16x1024xf32, #tpu.memory_space<hbm>>
    %dma_wait3A_196 = tpu.memref_squeeze %dma_wait3A_195 : memref<1x16x1024xf32, #tpu.memory_space<hbm>> -> memref<16x1024xf32, #tpu.memory_space<hbm>>
    %dma_wait3A_197 = arith.constant 0 : i32
    %dma_wait3A_198 = tpu.memref_slice %arg4[%select_n3A, %add3A_187, %dma_wait3A_197] : memref<4x2048x1024xf32, #tpu.memory_space<hbm>> -> memref<1x16x1024xf32, #tpu.memory_space<hbm>>
    %dma_wait3A_199 = tpu.memref_squeeze %dma_wait3A_198 : memref<1x16x1024xf32, #tpu.memory_space<hbm>> -> memref<16x1024xf32, #tpu.memory_space<hbm>>
    tpu.wait_dma2 semaphore(%arg23 : memref<!tpu.dma_semaphore, #tpu.memory_space<semaphore_mem>>) src(%arg11 : memref<16x1024xf32, #tpu.memory_space<vmem>>) dst(%dma_wait3A_199 : memref<16x1024xf32, #tpu.memory_space<hbm>>)
    %dma_start3A_200 = arith.constant 176 : i32
    %dma_start3A_201 = tpu.memref_slice %arg5[%dma_start3A_200] : memref<256xi32, #tpu.memory_space<vmem>> -> memref<16xi32, #tpu.memory_space<vmem>>
    %dma_start3A_202 = arith.constant 0 : i32
    %dma_start3A_203 = arith.constant 0 : i32
    %dma_start3A_204 = tpu.memref_slice %arg3[%dma_start3A_202, %dma_start3A_203] : memref<8192x1024xf32, #tpu.memory_space<hbm>> -> memref<8192x1024xf32, #tpu.memory_space<hbm>>
    tpu.enqueue_indirect_dma source(%dma_start3A_204 : memref<8192x1024xf32, #tpu.memory_space<hbm>>) target(%arg11 : memref<16x1024xf32, #tpu.memory_space<vmem>>) offsets(%dma_start3A_201 : memref<16xi32, #tpu.memory_space<vmem>>) semaphore(%arg17 : memref<!tpu.dma_semaphore, #tpu.memory_space<semaphore_mem>>)
    %dma_wait3A_205 = arith.constant 96 : i32
    %dma_wait3A_206 = tpu.memref_slice %arg5[%dma_wait3A_205] : memref<256xi32, #tpu.memory_space<vmem>> -> memref<16xi32, #tpu.memory_space<vmem>>
    %dma_wait3A_207 = arith.constant 0 : i32
    %dma_wait3A_208 = arith.constant 0 : i32
    %dma_wait3A_209 = tpu.memref_slice %arg3[%dma_wait3A_207, %dma_wait3A_208] : memref<8192x1024xf32, #tpu.memory_space<hbm>> -> memref<8192x1024xf32, #tpu.memory_space<hbm>>
    tpu.wait_indirect_dma semaphore(%arg12 : memref<!tpu.dma_semaphore, #tpu.memory_space<semaphore_mem>>) src(%dma_wait3A_209 : memref<8192x1024xf32, #tpu.memory_space<hbm>>) dst(%arg6 : memref<16x1024xf32, #tpu.memory_space<vmem>>)
    %add3A_210 = arith.constant 96 : i32
    %add3A_211 = arith.addi %mul3A_32, %add3A_210 : i32
    %dma_start3A_212 = arith.constant 0 : i32
    %dma_start3A_213 = tpu.memref_slice %arg4[%select_n3A, %add3A_211, %dma_start3A_212] : memref<4x2048x1024xf32, #tpu.memory_space<hbm>> -> memref<1x16x1024xf32, #tpu.memory_space<hbm>>
    %dma_start3A_214 = tpu.memref_squeeze %dma_start3A_213 : memref<1x16x1024xf32, #tpu.memory_space<hbm>> -> memref<16x1024xf32, #tpu.memory_space<hbm>>
    %dma_start3A_215 = arith.constant 0 : i32
    %dma_start3A_216 = tpu.memref_slice %arg4[%select_n3A, %add3A_211, %dma_start3A_215] : memref<4x2048x1024xf32, #tpu.memory_space<hbm>> -> memref<1x16x1024xf32, #tpu.memory_space<hbm>>
    %dma_start3A_217 = tpu.memref_squeeze %dma_start3A_216 : memref<1x16x1024xf32, #tpu.memory_space<hbm>> -> memref<16x1024xf32, #tpu.memory_space<hbm>>
    tpu.enqueue_dma source(%arg6 : memref<16x1024xf32, #tpu.memory_space<vmem>>) target(%dma_start3A_217 : memref<16x1024xf32, #tpu.memory_space<hbm>>) target_semaphore(%arg18 : memref<!tpu.dma_semaphore, #tpu.memory_space<semaphore_mem>>)
    %dma_wait3A_218 = arith.constant 0 : i32
    %dma_wait3A_219 = tpu.memref_slice %arg4[%select_n3A, %add3A_211, %dma_wait3A_218] : memref<4x2048x1024xf32, #tpu.memory_space<hbm>> -> memref<1x16x1024xf32, #tpu.memory_space<hbm>>
    %dma_wait3A_220 = tpu.memref_squeeze %dma_wait3A_219 : memref<1x16x1024xf32, #tpu.memory_space<hbm>> -> memref<16x1024xf32, #tpu.memory_space<hbm>>
    %dma_wait3A_221 = arith.constant 0 : i32
    %dma_wait3A_222 = tpu.memref_slice %arg4[%select_n3A, %add3A_211, %dma_wait3A_221] : memref<4x2048x1024xf32, #tpu.memory_space<hbm>> -> memref<1x16x1024xf32, #tpu.memory_space<hbm>>
    %dma_wait3A_223 = tpu.memref_squeeze %dma_wait3A_222 : memref<1x16x1024xf32, #tpu.memory_space<hbm>> -> memref<16x1024xf32, #tpu.memory_space<hbm>>
    tpu.wait_dma2 semaphore(%arg18 : memref<!tpu.dma_semaphore, #tpu.memory_space<semaphore_mem>>) src(%arg6 : memref<16x1024xf32, #tpu.memory_space<vmem>>) dst(%dma_wait3A_223 : memref<16x1024xf32, #tpu.memory_space<hbm>>)
    %dma_start3A_224 = arith.constant 192 : i32
    %dma_start3A_225 = tpu.memref_slice %arg5[%dma_start3A_224] : memref<256xi32, #tpu.memory_space<vmem>> -> memref<16xi32, #tpu.memory_space<vmem>>
    %dma_start3A_226 = arith.constant 0 : i32
    %dma_start3A_227 = arith.constant 0 : i32
    %dma_start3A_228 = tpu.memref_slice %arg3[%dma_start3A_226, %dma_start3A_227] : memref<8192x1024xf32, #tpu.memory_space<hbm>> -> memref<8192x1024xf32, #tpu.memory_space<hbm>>
    tpu.enqueue_indirect_dma source(%dma_start3A_228 : memref<8192x1024xf32, #tpu.memory_space<hbm>>) target(%arg6 : memref<16x1024xf32, #tpu.memory_space<vmem>>) offsets(%dma_start3A_225 : memref<16xi32, #tpu.memory_space<vmem>>) semaphore(%arg12 : memref<!tpu.dma_semaphore, #tpu.memory_space<semaphore_mem>>)
    %dma_wait3A_229 = arith.constant 112 : i32
    %dma_wait3A_230 = tpu.memref_slice %arg5[%dma_wait3A_229] : memref<256xi32, #tpu.memory_space<vmem>> -> memref<16xi32, #tpu.memory_space<vmem>>
    %dma_wait3A_231 = arith.constant 0 : i32
    %dma_wait3A_232 = arith.constant 0 : i32
    %dma_wait3A_233 = tpu.memref_slice %arg3[%dma_wait3A_231, %dma_wait3A_232] : memref<8192x1024xf32, #tpu.memory_space<hbm>> -> memref<8192x1024xf32, #tpu.memory_space<hbm>>
    tpu.wait_indirect_dma semaphore(%arg13 : memref<!tpu.dma_semaphore, #tpu.memory_space<semaphore_mem>>) src(%dma_wait3A_233 : memref<8192x1024xf32, #tpu.memory_space<hbm>>) dst(%arg7 : memref<16x1024xf32, #tpu.memory_space<vmem>>)
    %add3A_234 = arith.constant 112 : i32
    %add3A_235 = arith.addi %mul3A_32, %add3A_234 : i32
    %dma_start3A_236 = arith.constant 0 : i32
    %dma_start3A_237 = tpu.memref_slice %arg4[%select_n3A, %add3A_235, %dma_start3A_236] : memref<4x2048x1024xf32, #tpu.memory_space<hbm>> -> memref<1x16x1024xf32, #tpu.memory_space<hbm>>
    %dma_start3A_238 = tpu.memref_squeeze %dma_start3A_237 : memref<1x16x1024xf32, #tpu.memory_space<hbm>> -> memref<16x1024xf32, #tpu.memory_space<hbm>>
    %dma_start3A_239 = arith.constant 0 : i32
    %dma_start3A_240 = tpu.memref_slice %arg4[%select_n3A, %add3A_235, %dma_start3A_239] : memref<4x2048x1024xf32, #tpu.memory_space<hbm>> -> memref<1x16x1024xf32, #tpu.memory_space<hbm>>
    %dma_start3A_241 = tpu.memref_squeeze %dma_start3A_240 : memref<1x16x1024xf32, #tpu.memory_space<hbm>> -> memref<16x1024xf32, #tpu.memory_space<hbm>>
    tpu.enqueue_dma source(%arg7 : memref<16x1024xf32, #tpu.memory_space<vmem>>) target(%dma_start3A_241 : memref<16x1024xf32, #tpu.memory_space<hbm>>) target_semaphore(%arg19 : memref<!tpu.dma_semaphore, #tpu.memory_space<semaphore_mem>>)
    %dma_wait3A_242 = arith.constant 0 : i32
    %dma_wait3A_243 = tpu.memref_slice %arg4[%select_n3A, %add3A_235, %dma_wait3A_242] : memref<4x2048x1024xf32, #tpu.memory_space<hbm>> -> memref<1x16x1024xf32, #tpu.memory_space<hbm>>
    %dma_wait3A_244 = tpu.memref_squeeze %dma_wait3A_243 : memref<1x16x1024xf32, #tpu.memory_space<hbm>> -> memref<16x1024xf32, #tpu.memory_space<hbm>>
    %dma_wait3A_245 = arith.constant 0 : i32
    %dma_wait3A_246 = tpu.memref_slice %arg4[%select_n3A, %add3A_235, %dma_wait3A_245] : memref<4x2048x1024xf32, #tpu.memory_space<hbm>> -> memref<1x16x1024xf32, #tpu.memory_space<hbm>>
    %dma_wait3A_247 = tpu.memref_squeeze %dma_wait3A_246 : memref<1x16x1024xf32, #tpu.memory_space<hbm>> -> memref<16x1024xf32, #tpu.memory_space<hbm>>
    tpu.wait_dma2 semaphore(%arg19 : memref<!tpu.dma_semaphore, #tpu.memory_space<semaphore_mem>>) src(%arg7 : memref<16x1024xf32, #tpu.memory_space<vmem>>) dst(%dma_wait3A_247 : memref<16x1024xf32, #tpu.memory_space<hbm>>)
    %dma_start3A_248 = arith.constant 208 : i32
    %dma_start3A_249 = tpu.memref_slice %arg5[%dma_start3A_248] : memref<256xi32, #tpu.memory_space<vmem>> -> memref<16xi32, #tpu.memory_space<vmem>>
    %dma_start3A_250 = arith.constant 0 : i32
    %dma_start3A_251 = arith.constant 0 : i32
    %dma_start3A_252 = tpu.memref_slice %arg3[%dma_start3A_250, %dma_start3A_251] : memref<8192x1024xf32, #tpu.memory_space<hbm>> -> memref<8192x1024xf32, #tpu.memory_space<hbm>>
    tpu.enqueue_indirect_dma source(%dma_start3A_252 : memref<8192x1024xf32, #tpu.memory_space<hbm>>) target(%arg7 : memref<16x1024xf32, #tpu.memory_space<vmem>>) offsets(%dma_start3A_249 : memref<16xi32, #tpu.memory_space<vmem>>) semaphore(%arg13 : memref<!tpu.dma_semaphore, #tpu.memory_space<semaphore_mem>>)
    %dma_wait3A_253 = arith.constant 128 : i32
    %dma_wait3A_254 = tpu.memref_slice %arg5[%dma_wait3A_253] : memref<256xi32, #tpu.memory_space<vmem>> -> memref<16xi32, #tpu.memory_space<vmem>>
    %dma_wait3A_255 = arith.constant 0 : i32
    %dma_wait3A_256 = arith.constant 0 : i32
    %dma_wait3A_257 = tpu.memref_slice %arg3[%dma_wait3A_255, %dma_wait3A_256] : memref<8192x1024xf32, #tpu.memory_space<hbm>> -> memref<8192x1024xf32, #tpu.memory_space<hbm>>
    tpu.wait_indirect_dma semaphore(%arg14 : memref<!tpu.dma_semaphore, #tpu.memory_space<semaphore_mem>>) src(%dma_wait3A_257 : memref<8192x1024xf32, #tpu.memory_space<hbm>>) dst(%arg8 : memref<16x1024xf32, #tpu.memory_space<vmem>>)
    %add3A_258 = arith.constant 128 : i32
    %add3A_259 = arith.addi %mul3A_32, %add3A_258 : i32
    %dma_start3A_260 = arith.constant 0 : i32
    %dma_start3A_261 = tpu.memref_slice %arg4[%select_n3A, %add3A_259, %dma_start3A_260] : memref<4x2048x1024xf32, #tpu.memory_space<hbm>> -> memref<1x16x1024xf32, #tpu.memory_space<hbm>>
    %dma_start3A_262 = tpu.memref_squeeze %dma_start3A_261 : memref<1x16x1024xf32, #tpu.memory_space<hbm>> -> memref<16x1024xf32, #tpu.memory_space<hbm>>
    %dma_start3A_263 = arith.constant 0 : i32
    %dma_start3A_264 = tpu.memref_slice %arg4[%select_n3A, %add3A_259, %dma_start3A_263] : memref<4x2048x1024xf32, #tpu.memory_space<hbm>> -> memref<1x16x1024xf32, #tpu.memory_space<hbm>>
    %dma_start3A_265 = tpu.memref_squeeze %dma_start3A_264 : memref<1x16x1024xf32, #tpu.memory_space<hbm>> -> memref<16x1024xf32, #tpu.memory_space<hbm>>
    tpu.enqueue_dma source(%arg8 : memref<16x1024xf32, #tpu.memory_space<vmem>>) target(%dma_start3A_265 : memref<16x1024xf32, #tpu.memory_space<hbm>>) target_semaphore(%arg20 : memref<!tpu.dma_semaphore, #tpu.memory_space<semaphore_mem>>)
    %dma_wait3A_266 = arith.constant 0 : i32
    %dma_wait3A_267 = tpu.memref_slice %arg4[%select_n3A, %add3A_259, %dma_wait3A_266] : memref<4x2048x1024xf32, #tpu.memory_space<hbm>> -> memref<1x16x1024xf32, #tpu.memory_space<hbm>>
    %dma_wait3A_268 = tpu.memref_squeeze %dma_wait3A_267 : memref<1x16x1024xf32, #tpu.memory_space<hbm>> -> memref<16x1024xf32, #tpu.memory_space<hbm>>
    %dma_wait3A_269 = arith.constant 0 : i32
    %dma_wait3A_270 = tpu.memref_slice %arg4[%select_n3A, %add3A_259, %dma_wait3A_269] : memref<4x2048x1024xf32, #tpu.memory_space<hbm>> -> memref<1x16x1024xf32, #tpu.memory_space<hbm>>
    %dma_wait3A_271 = tpu.memref_squeeze %dma_wait3A_270 : memref<1x16x1024xf32, #tpu.memory_space<hbm>> -> memref<16x1024xf32, #tpu.memory_space<hbm>>
    tpu.wait_dma2 semaphore(%arg20 : memref<!tpu.dma_semaphore, #tpu.memory_space<semaphore_mem>>) src(%arg8 : memref<16x1024xf32, #tpu.memory_space<vmem>>) dst(%dma_wait3A_271 : memref<16x1024xf32, #tpu.memory_space<hbm>>)
    %dma_start3A_272 = arith.constant 224 : i32
    %dma_start3A_273 = tpu.memref_slice %arg5[%dma_start3A_272] : memref<256xi32, #tpu.memory_space<vmem>> -> memref<16xi32, #tpu.memory_space<vmem>>
    %dma_start3A_274 = arith.constant 0 : i32
    %dma_start3A_275 = arith.constant 0 : i32
    %dma_start3A_276 = tpu.memref_slice %arg3[%dma_start3A_274, %dma_start3A_275] : memref<8192x1024xf32, #tpu.memory_space<hbm>> -> memref<8192x1024xf32, #tpu.memory_space<hbm>>
    tpu.enqueue_indirect_dma source(%dma_start3A_276 : memref<8192x1024xf32, #tpu.memory_space<hbm>>) target(%arg8 : memref<16x1024xf32, #tpu.memory_space<vmem>>) offsets(%dma_start3A_273 : memref<16xi32, #tpu.memory_space<vmem>>) semaphore(%arg14 : memref<!tpu.dma_semaphore, #tpu.memory_space<semaphore_mem>>)
    %dma_wait3A_277 = arith.constant 144 : i32
    %dma_wait3A_278 = tpu.memref_slice %arg5[%dma_wait3A_277] : memref<256xi32, #tpu.memory_space<vmem>> -> memref<16xi32, #tpu.memory_space<vmem>>
    %dma_wait3A_279 = arith.constant 0 : i32
    %dma_wait3A_280 = arith.constant 0 : i32
    %dma_wait3A_281 = tpu.memref_slice %arg3[%dma_wait3A_279, %dma_wait3A_280] : memref<8192x1024xf32, #tpu.memory_space<hbm>> -> memref<8192x1024xf32, #tpu.memory_space<hbm>>
    tpu.wait_indirect_dma semaphore(%arg15 : memref<!tpu.dma_semaphore, #tpu.memory_space<semaphore_mem>>) src(%dma_wait3A_281 : memref<8192x1024xf32, #tpu.memory_space<hbm>>) dst(%arg9 : memref<16x1024xf32, #tpu.memory_space<vmem>>)
    %add3A_282 = arith.constant 144 : i32
    %add3A_283 = arith.addi %mul3A_32, %add3A_282 : i32
    %dma_start3A_284 = arith.constant 0 : i32
    %dma_start3A_285 = tpu.memref_slice %arg4[%select_n3A, %add3A_283, %dma_start3A_284] : memref<4x2048x1024xf32, #tpu.memory_space<hbm>> -> memref<1x16x1024xf32, #tpu.memory_space<hbm>>
    %dma_start3A_286 = tpu.memref_squeeze %dma_start3A_285 : memref<1x16x1024xf32, #tpu.memory_space<hbm>> -> memref<16x1024xf32, #tpu.memory_space<hbm>>
    %dma_start3A_287 = arith.constant 0 : i32
    %dma_start3A_288 = tpu.memref_slice %arg4[%select_n3A, %add3A_283, %dma_start3A_287] : memref<4x2048x1024xf32, #tpu.memory_space<hbm>> -> memref<1x16x1024xf32, #tpu.memory_space<hbm>>
    %dma_start3A_289 = tpu.memref_squeeze %dma_start3A_288 : memref<1x16x1024xf32, #tpu.memory_space<hbm>> -> memref<16x1024xf32, #tpu.memory_space<hbm>>
    tpu.enqueue_dma source(%arg9 : memref<16x1024xf32, #tpu.memory_space<vmem>>) target(%dma_start3A_289 : memref<16x1024xf32, #tpu.memory_space<hbm>>) target_semaphore(%arg21 : memref<!tpu.dma_semaphore, #tpu.memory_space<semaphore_mem>>)
    %dma_wait3A_290 = arith.constant 0 : i32
    %dma_wait3A_291 = tpu.memref_slice %arg4[%select_n3A, %add3A_283, %dma_wait3A_290] : memref<4x2048x1024xf32, #tpu.memory_space<hbm>> -> memref<1x16x1024xf32, #tpu.memory_space<hbm>>
    %dma_wait3A_292 = tpu.memref_squeeze %dma_wait3A_291 : memref<1x16x1024xf32, #tpu.memory_space<hbm>> -> memref<16x1024xf32, #tpu.memory_space<hbm>>
    %dma_wait3A_293 = arith.constant 0 : i32
    %dma_wait3A_294 = tpu.memref_slice %arg4[%select_n3A, %add3A_283, %dma_wait3A_293] : memref<4x2048x1024xf32, #tpu.memory_space<hbm>> -> memref<1x16x1024xf32, #tpu.memory_space<hbm>>
    %dma_wait3A_295 = tpu.memref_squeeze %dma_wait3A_294 : memref<1x16x1024xf32, #tpu.memory_space<hbm>> -> memref<16x1024xf32, #tpu.memory_space<hbm>>
    tpu.wait_dma2 semaphore(%arg21 : memref<!tpu.dma_semaphore, #tpu.memory_space<semaphore_mem>>) src(%arg9 : memref<16x1024xf32, #tpu.memory_space<vmem>>) dst(%dma_wait3A_295 : memref<16x1024xf32, #tpu.memory_space<hbm>>)
    %dma_start3A_296 = arith.constant 240 : i32
    %dma_start3A_297 = tpu.memref_slice %arg5[%dma_start3A_296] : memref<256xi32, #tpu.memory_space<vmem>> -> memref<16xi32, #tpu.memory_space<vmem>>
    %dma_start3A_298 = arith.constant 0 : i32
    %dma_start3A_299 = arith.constant 0 : i32
    %dma_start3A_300 = tpu.memref_slice %arg3[%dma_start3A_298, %dma_start3A_299] : memref<8192x1024xf32, #tpu.memory_space<hbm>> -> memref<8192x1024xf32, #tpu.memory_space<hbm>>
    tpu.enqueue_indirect_dma source(%dma_start3A_300 : memref<8192x1024xf32, #tpu.memory_space<hbm>>) target(%arg9 : memref<16x1024xf32, #tpu.memory_space<vmem>>) offsets(%dma_start3A_297 : memref<16xi32, #tpu.memory_space<vmem>>) semaphore(%arg15 : memref<!tpu.dma_semaphore, #tpu.memory_space<semaphore_mem>>)
    %dma_wait3A_301 = arith.constant 160 : i32
    %dma_wait3A_302 = tpu.memref_slice %arg5[%dma_wait3A_301] : memref<256xi32, #tpu.memory_space<vmem>> -> memref<16xi32, #tpu.memory_space<vmem>>
    %dma_wait3A_303 = arith.constant 0 : i32
    %dma_wait3A_304 = arith.constant 0 : i32
    %dma_wait3A_305 = tpu.memref_slice %arg3[%dma_wait3A_303, %dma_wait3A_304] : memref<8192x1024xf32, #tpu.memory_space<hbm>> -> memref<8192x1024xf32, #tpu.memory_space<hbm>>
    tpu.wait_indirect_dma semaphore(%arg16 : memref<!tpu.dma_semaphore, #tpu.memory_space<semaphore_mem>>) src(%dma_wait3A_305 : memref<8192x1024xf32, #tpu.memory_space<hbm>>) dst(%arg10 : memref<16x1024xf32, #tpu.memory_space<vmem>>)
    %add3A_306 = arith.constant 160 : i32
    %add3A_307 = arith.addi %mul3A_32, %add3A_306 : i32
    %dma_start3A_308 = arith.constant 0 : i32
    %dma_start3A_309 = tpu.memref_slice %arg4[%select_n3A, %add3A_307, %dma_start3A_308] : memref<4x2048x1024xf32, #tpu.memory_space<hbm>> -> memref<1x16x1024xf32, #tpu.memory_space<hbm>>
    %dma_start3A_310 = tpu.memref_squeeze %dma_start3A_309 : memref<1x16x1024xf32, #tpu.memory_space<hbm>> -> memref<16x1024xf32, #tpu.memory_space<hbm>>
    %dma_start3A_311 = arith.constant 0 : i32
    %dma_start3A_312 = tpu.memref_slice %arg4[%select_n3A, %add3A_307, %dma_start3A_311] : memref<4x2048x1024xf32, #tpu.memory_space<hbm>> -> memref<1x16x1024xf32, #tpu.memory_space<hbm>>
    %dma_start3A_313 = tpu.memref_squeeze %dma_start3A_312 : memref<1x16x1024xf32, #tpu.memory_space<hbm>> -> memref<16x1024xf32, #tpu.memory_space<hbm>>
    tpu.enqueue_dma source(%arg10 : memref<16x1024xf32, #tpu.memory_space<vmem>>) target(%dma_start3A_313 : memref<16x1024xf32, #tpu.memory_space<hbm>>) target_semaphore(%arg22 : memref<!tpu.dma_semaphore, #tpu.memory_space<semaphore_mem>>)
    %dma_wait3A_314 = arith.constant 176 : i32
    %dma_wait3A_315 = tpu.memref_slice %arg5[%dma_wait3A_314] : memref<256xi32, #tpu.memory_space<vmem>> -> memref<16xi32, #tpu.memory_space<vmem>>
    %dma_wait3A_316 = arith.constant 0 : i32
    %dma_wait3A_317 = arith.constant 0 : i32
    %dma_wait3A_318 = tpu.memref_slice %arg3[%dma_wait3A_316, %dma_wait3A_317] : memref<8192x1024xf32, #tpu.memory_space<hbm>> -> memref<8192x1024xf32, #tpu.memory_space<hbm>>
    tpu.wait_indirect_dma semaphore(%arg17 : memref<!tpu.dma_semaphore, #tpu.memory_space<semaphore_mem>>) src(%dma_wait3A_318 : memref<8192x1024xf32, #tpu.memory_space<hbm>>) dst(%arg11 : memref<16x1024xf32, #tpu.memory_space<vmem>>)
    %add3A_319 = arith.constant 176 : i32
    %add3A_320 = arith.addi %mul3A_32, %add3A_319 : i32
    %dma_start3A_321 = arith.constant 0 : i32
    %dma_start3A_322 = tpu.memref_slice %arg4[%select_n3A, %add3A_320, %dma_start3A_321] : memref<4x2048x1024xf32, #tpu.memory_space<hbm>> -> memref<1x16x1024xf32, #tpu.memory_space<hbm>>
    %dma_start3A_323 = tpu.memref_squeeze %dma_start3A_322 : memref<1x16x1024xf32, #tpu.memory_space<hbm>> -> memref<16x1024xf32, #tpu.memory_space<hbm>>
    %dma_start3A_324 = arith.constant 0 : i32
    %dma_start3A_325 = tpu.memref_slice %arg4[%select_n3A, %add3A_320, %dma_start3A_324] : memref<4x2048x1024xf32, #tpu.memory_space<hbm>> -> memref<1x16x1024xf32, #tpu.memory_space<hbm>>
    %dma_start3A_326 = tpu.memref_squeeze %dma_start3A_325 : memref<1x16x1024xf32, #tpu.memory_space<hbm>> -> memref<16x1024xf32, #tpu.memory_space<hbm>>
    tpu.enqueue_dma source(%arg11 : memref<16x1024xf32, #tpu.memory_space<vmem>>) target(%dma_start3A_326 : memref<16x1024xf32, #tpu.memory_space<hbm>>) target_semaphore(%arg23 : memref<!tpu.dma_semaphore, #tpu.memory_space<semaphore_mem>>)
    %dma_wait3A_327 = arith.constant 192 : i32
    %dma_wait3A_328 = tpu.memref_slice %arg5[%dma_wait3A_327] : memref<256xi32, #tpu.memory_space<vmem>> -> memref<16xi32, #tpu.memory_space<vmem>>
    %dma_wait3A_329 = arith.constant 0 : i32
    %dma_wait3A_330 = arith.constant 0 : i32
    %dma_wait3A_331 = tpu.memref_slice %arg3[%dma_wait3A_329, %dma_wait3A_330] : memref<8192x1024xf32, #tpu.memory_space<hbm>> -> memref<8192x1024xf32, #tpu.memory_space<hbm>>
    tpu.wait_indirect_dma semaphore(%arg12 : memref<!tpu.dma_semaphore, #tpu.memory_space<semaphore_mem>>) src(%dma_wait3A_331 : memref<8192x1024xf32, #tpu.memory_space<hbm>>) dst(%arg6 : memref<16x1024xf32, #tpu.memory_space<vmem>>)
    %add3A_332 = arith.constant 192 : i32
    %add3A_333 = arith.addi %mul3A_32, %add3A_332 : i32
    %dma_start3A_334 = arith.constant 0 : i32
    %dma_start3A_335 = tpu.memref_slice %arg4[%select_n3A, %add3A_333, %dma_start3A_334] : memref<4x2048x1024xf32, #tpu.memory_space<hbm>> -> memref<1x16x1024xf32, #tpu.memory_space<hbm>>
    %dma_start3A_336 = tpu.memref_squeeze %dma_start3A_335 : memref<1x16x1024xf32, #tpu.memory_space<hbm>> -> memref<16x1024xf32, #tpu.memory_space<hbm>>
    %dma_start3A_337 = arith.constant 0 : i32
    %dma_start3A_338 = tpu.memref_slice %arg4[%select_n3A, %add3A_333, %dma_start3A_337] : memref<4x2048x1024xf32, #tpu.memory_space<hbm>> -> memref<1x16x1024xf32, #tpu.memory_space<hbm>>
    %dma_start3A_339 = tpu.memref_squeeze %dma_start3A_338 : memref<1x16x1024xf32, #tpu.memory_space<hbm>> -> memref<16x1024xf32, #tpu.memory_space<hbm>>
    tpu.enqueue_dma source(%arg6 : memref<16x1024xf32, #tpu.memory_space<vmem>>) target(%dma_start3A_339 : memref<16x1024xf32, #tpu.memory_space<hbm>>) target_semaphore(%arg18 : memref<!tpu.dma_semaphore, #tpu.memory_space<semaphore_mem>>)
    %dma_wait3A_340 = arith.constant 208 : i32
    %dma_wait3A_341 = tpu.memref_slice %arg5[%dma_wait3A_340] : memref<256xi32, #tpu.memory_space<vmem>> -> memref<16xi32, #tpu.memory_space<vmem>>
    %dma_wait3A_342 = arith.constant 0 : i32
    %dma_wait3A_343 = arith.constant 0 : i32
    %dma_wait3A_344 = tpu.memref_slice %arg3[%dma_wait3A_342, %dma_wait3A_343] : memref<8192x1024xf32, #tpu.memory_space<hbm>> -> memref<8192x1024xf32, #tpu.memory_space<hbm>>
    tpu.wait_indirect_dma semaphore(%arg13 : memref<!tpu.dma_semaphore, #tpu.memory_space<semaphore_mem>>) src(%dma_wait3A_344 : memref<8192x1024xf32, #tpu.memory_space<hbm>>) dst(%arg7 : memref<16x1024xf32, #tpu.memory_space<vmem>>)
    %add3A_345 = arith.constant 208 : i32
    %add3A_346 = arith.addi %mul3A_32, %add3A_345 : i32
    %dma_start3A_347 = arith.constant 0 : i32
    %dma_start3A_348 = tpu.memref_slice %arg4[%select_n3A, %add3A_346, %dma_start3A_347] : memref<4x2048x1024xf32, #tpu.memory_space<hbm>> -> memref<1x16x1024xf32, #tpu.memory_space<hbm>>
    %dma_start3A_349 = tpu.memref_squeeze %dma_start3A_348 : memref<1x16x1024xf32, #tpu.memory_space<hbm>> -> memref<16x1024xf32, #tpu.memory_space<hbm>>
    %dma_start3A_350 = arith.constant 0 : i32
    %dma_start3A_351 = tpu.memref_slice %arg4[%select_n3A, %add3A_346, %dma_start3A_350] : memref<4x2048x1024xf32, #tpu.memory_space<hbm>> -> memref<1x16x1024xf32, #tpu.memory_space<hbm>>
    %dma_start3A_352 = tpu.memref_squeeze %dma_start3A_351 : memref<1x16x1024xf32, #tpu.memory_space<hbm>> -> memref<16x1024xf32, #tpu.memory_space<hbm>>
    tpu.enqueue_dma source(%arg7 : memref<16x1024xf32, #tpu.memory_space<vmem>>) target(%dma_start3A_352 : memref<16x1024xf32, #tpu.memory_space<hbm>>) target_semaphore(%arg19 : memref<!tpu.dma_semaphore, #tpu.memory_space<semaphore_mem>>)
    %dma_wait3A_353 = arith.constant 224 : i32
    %dma_wait3A_354 = tpu.memref_slice %arg5[%dma_wait3A_353] : memref<256xi32, #tpu.memory_space<vmem>> -> memref<16xi32, #tpu.memory_space<vmem>>
    %dma_wait3A_355 = arith.constant 0 : i32
    %dma_wait3A_356 = arith.constant 0 : i32
    %dma_wait3A_357 = tpu.memref_slice %arg3[%dma_wait3A_355, %dma_wait3A_356] : memref<8192x1024xf32, #tpu.memory_space<hbm>> -> memref<8192x1024xf32, #tpu.memory_space<hbm>>
    tpu.wait_indirect_dma semaphore(%arg14 : memref<!tpu.dma_semaphore, #tpu.memory_space<semaphore_mem>>) src(%dma_wait3A_357 : memref<8192x1024xf32, #tpu.memory_space<hbm>>) dst(%arg8 : memref<16x1024xf32, #tpu.memory_space<vmem>>)
    %add3A_358 = arith.constant 224 : i32
    %add3A_359 = arith.addi %mul3A_32, %add3A_358 : i32
    %dma_start3A_360 = arith.constant 0 : i32
    %dma_start3A_361 = tpu.memref_slice %arg4[%select_n3A, %add3A_359, %dma_start3A_360] : memref<4x2048x1024xf32, #tpu.memory_space<hbm>> -> memref<1x16x1024xf32, #tpu.memory_space<hbm>>
    %dma_start3A_362 = tpu.memref_squeeze %dma_start3A_361 : memref<1x16x1024xf32, #tpu.memory_space<hbm>> -> memref<16x1024xf32, #tpu.memory_space<hbm>>
    %dma_start3A_363 = arith.constant 0 : i32
    %dma_start3A_364 = tpu.memref_slice %arg4[%select_n3A, %add3A_359, %dma_start3A_363] : memref<4x2048x1024xf32, #tpu.memory_space<hbm>> -> memref<1x16x1024xf32, #tpu.memory_space<hbm>>
    %dma_start3A_365 = tpu.memref_squeeze %dma_start3A_364 : memref<1x16x1024xf32, #tpu.memory_space<hbm>> -> memref<16x1024xf32, #tpu.memory_space<hbm>>
    tpu.enqueue_dma source(%arg8 : memref<16x1024xf32, #tpu.memory_space<vmem>>) target(%dma_start3A_365 : memref<16x1024xf32, #tpu.memory_space<hbm>>) target_semaphore(%arg20 : memref<!tpu.dma_semaphore, #tpu.memory_space<semaphore_mem>>)
    %dma_wait3A_366 = arith.constant 240 : i32
    %dma_wait3A_367 = tpu.memref_slice %arg5[%dma_wait3A_366] : memref<256xi32, #tpu.memory_space<vmem>> -> memref<16xi32, #tpu.memory_space<vmem>>
    %dma_wait3A_368 = arith.constant 0 : i32
    %dma_wait3A_369 = arith.constant 0 : i32
    %dma_wait3A_370 = tpu.memref_slice %arg3[%dma_wait3A_368, %dma_wait3A_369] : memref<8192x1024xf32, #tpu.memory_space<hbm>> -> memref<8192x1024xf32, #tpu.memory_space<hbm>>
    tpu.wait_indirect_dma semaphore(%arg15 : memref<!tpu.dma_semaphore, #tpu.memory_space<semaphore_mem>>) src(%dma_wait3A_370 : memref<8192x1024xf32, #tpu.memory_space<hbm>>) dst(%arg9 : memref<16x1024xf32, #tpu.memory_space<vmem>>)
    %add3A_371 = arith.constant 240 : i32
    %add3A_372 = arith.addi %mul3A_32, %add3A_371 : i32
    %dma_start3A_373 = arith.constant 0 : i32
    %dma_start3A_374 = tpu.memref_slice %arg4[%select_n3A, %add3A_372, %dma_start3A_373] : memref<4x2048x1024xf32, #tpu.memory_space<hbm>> -> memref<1x16x1024xf32, #tpu.memory_space<hbm>>
    %dma_start3A_375 = tpu.memref_squeeze %dma_start3A_374 : memref<1x16x1024xf32, #tpu.memory_space<hbm>> -> memref<16x1024xf32, #tpu.memory_space<hbm>>
    %dma_start3A_376 = arith.constant 0 : i32
    %dma_start3A_377 = tpu.memref_slice %arg4[%select_n3A, %add3A_372, %dma_start3A_376] : memref<4x2048x1024xf32, #tpu.memory_space<hbm>> -> memref<1x16x1024xf32, #tpu.memory_space<hbm>>
    %dma_start3A_378 = tpu.memref_squeeze %dma_start3A_377 : memref<1x16x1024xf32, #tpu.memory_space<hbm>> -> memref<16x1024xf32, #tpu.memory_space<hbm>>
    tpu.enqueue_dma source(%arg9 : memref<16x1024xf32, #tpu.memory_space<vmem>>) target(%dma_start3A_378 : memref<16x1024xf32, #tpu.memory_space<hbm>>) target_semaphore(%arg21 : memref<!tpu.dma_semaphore, #tpu.memory_space<semaphore_mem>>)
    %dma_wait3A_379 = arith.constant 0 : i32
    %dma_wait3A_380 = tpu.memref_slice %arg4[%select_n3A, %add3A_307, %dma_wait3A_379] : memref<4x2048x1024xf32, #tpu.memory_space<hbm>> -> memref<1x16x1024xf32, #tpu.memory_space<hbm>>
    %dma_wait3A_381 = tpu.memref_squeeze %dma_wait3A_380 : memref<1x16x1024xf32, #tpu.memory_space<hbm>> -> memref<16x1024xf32, #tpu.memory_space<hbm>>
    %dma_wait3A_382 = arith.constant 0 : i32
    %dma_wait3A_383 = tpu.memref_slice %arg4[%select_n3A, %add3A_307, %dma_wait3A_382] : memref<4x2048x1024xf32, #tpu.memory_space<hbm>> -> memref<1x16x1024xf32, #tpu.memory_space<hbm>>
    %dma_wait3A_384 = tpu.memref_squeeze %dma_wait3A_383 : memref<1x16x1024xf32, #tpu.memory_space<hbm>> -> memref<16x1024xf32, #tpu.memory_space<hbm>>
    tpu.wait_dma2 semaphore(%arg22 : memref<!tpu.dma_semaphore, #tpu.memory_space<semaphore_mem>>) src(%arg10 : memref<16x1024xf32, #tpu.memory_space<vmem>>) dst(%dma_wait3A_384 : memref<16x1024xf32, #tpu.memory_space<hbm>>)
    %dma_wait3A_385 = arith.constant 0 : i32
    %dma_wait3A_386 = tpu.memref_slice %arg4[%select_n3A, %add3A_320, %dma_wait3A_385] : memref<4x2048x1024xf32, #tpu.memory_space<hbm>> -> memref<1x16x1024xf32, #tpu.memory_space<hbm>>
    %dma_wait3A_387 = tpu.memref_squeeze %dma_wait3A_386 : memref<1x16x1024xf32, #tpu.memory_space<hbm>> -> memref<16x1024xf32, #tpu.memory_space<hbm>>
    %dma_wait3A_388 = arith.constant 0 : i32
    %dma_wait3A_389 = tpu.memref_slice %arg4[%select_n3A, %add3A_320, %dma_wait3A_388] : memref<4x2048x1024xf32, #tpu.memory_space<hbm>> -> memref<1x16x1024xf32, #tpu.memory_space<hbm>>
    %dma_wait3A_390 = tpu.memref_squeeze %dma_wait3A_389 : memref<1x16x1024xf32, #tpu.memory_space<hbm>> -> memref<16x1024xf32, #tpu.memory_space<hbm>>
    tpu.wait_dma2 semaphore(%arg23 : memref<!tpu.dma_semaphore, #tpu.memory_space<semaphore_mem>>) src(%arg11 : memref<16x1024xf32, #tpu.memory_space<vmem>>) dst(%dma_wait3A_390 : memref<16x1024xf32, #tpu.memory_space<hbm>>)
    %dma_wait3A_391 = arith.constant 0 : i32
    %dma_wait3A_392 = tpu.memref_slice %arg4[%select_n3A, %add3A_333, %dma_wait3A_391] : memref<4x2048x1024xf32, #tpu.memory_space<hbm>> -> memref<1x16x1024xf32, #tpu.memory_space<hbm>>
    %dma_wait3A_393 = tpu.memref_squeeze %dma_wait3A_392 : memref<1x16x1024xf32, #tpu.memory_space<hbm>> -> memref<16x1024xf32, #tpu.memory_space<hbm>>
    %dma_wait3A_394 = arith.constant 0 : i32
    %dma_wait3A_395 = tpu.memref_slice %arg4[%select_n3A, %add3A_333, %dma_wait3A_394] : memref<4x2048x1024xf32, #tpu.memory_space<hbm>> -> memref<1x16x1024xf32, #tpu.memory_space<hbm>>
    %dma_wait3A_396 = tpu.memref_squeeze %dma_wait3A_395 : memref<1x16x1024xf32, #tpu.memory_space<hbm>> -> memref<16x1024xf32, #tpu.memory_space<hbm>>
    tpu.wait_dma2 semaphore(%arg18 : memref<!tpu.dma_semaphore, #tpu.memory_space<semaphore_mem>>) src(%arg6 : memref<16x1024xf32, #tpu.memory_space<vmem>>) dst(%dma_wait3A_396 : memref<16x1024xf32, #tpu.memory_space<hbm>>)
    %dma_wait3A_397 = arith.constant 0 : i32
    %dma_wait3A_398 = tpu.memref_slice %arg4[%select_n3A, %add3A_346, %dma_wait3A_397] : memref<4x2048x1024xf32, #tpu.memory_space<hbm>> -> memref<1x16x1024xf32, #tpu.memory_space<hbm>>
    %dma_wait3A_399 = tpu.memref_squeeze %dma_wait3A_398 : memref<1x16x1024xf32, #tpu.memory_space<hbm>> -> memref<16x1024xf32, #tpu.memory_space<hbm>>
    %dma_wait3A_400 = arith.constant 0 : i32
    %dma_wait3A_401 = tpu.memref_slice %arg4[%select_n3A, %add3A_346, %dma_wait3A_400] : memref<4x2048x1024xf32, #tpu.memory_space<hbm>> -> memref<1x16x1024xf32, #tpu.memory_space<hbm>>
    %dma_wait3A_402 = tpu.memref_squeeze %dma_wait3A_401 : memref<1x16x1024xf32, #tpu.memory_space<hbm>> -> memref<16x1024xf32, #tpu.memory_space<hbm>>
    tpu.wait_dma2 semaphore(%arg19 : memref<!tpu.dma_semaphore, #tpu.memory_space<semaphore_mem>>) src(%arg7 : memref<16x1024xf32, #tpu.memory_space<vmem>>) dst(%dma_wait3A_402 : memref<16x1024xf32, #tpu.memory_space<hbm>>)
    %dma_wait3A_403 = arith.constant 0 : i32
    %dma_wait3A_404 = tpu.memref_slice %arg4[%select_n3A, %add3A_359, %dma_wait3A_403] : memref<4x2048x1024xf32, #tpu.memory_space<hbm>> -> memref<1x16x1024xf32, #tpu.memory_space<hbm>>
    %dma_wait3A_405 = tpu.memref_squeeze %dma_wait3A_404 : memref<1x16x1024xf32, #tpu.memory_space<hbm>> -> memref<16x1024xf32, #tpu.memory_space<hbm>>
    %dma_wait3A_406 = arith.constant 0 : i32
    %dma_wait3A_407 = tpu.memref_slice %arg4[%select_n3A, %add3A_359, %dma_wait3A_406] : memref<4x2048x1024xf32, #tpu.memory_space<hbm>> -> memref<1x16x1024xf32, #tpu.memory_space<hbm>>
    %dma_wait3A_408 = tpu.memref_squeeze %dma_wait3A_407 : memref<1x16x1024xf32, #tpu.memory_space<hbm>> -> memref<16x1024xf32, #tpu.memory_space<hbm>>
    tpu.wait_dma2 semaphore(%arg20 : memref<!tpu.dma_semaphore, #tpu.memory_space<semaphore_mem>>) src(%arg8 : memref<16x1024xf32, #tpu.memory_space<vmem>>) dst(%dma_wait3A_408 : memref<16x1024xf32, #tpu.memory_space<hbm>>)
    %dma_wait3A_409 = arith.constant 0 : i32
    %dma_wait3A_410 = tpu.memref_slice %arg4[%select_n3A, %add3A_372, %dma_wait3A_409] : memref<4x2048x1024xf32, #tpu.memory_space<hbm>> -> memref<1x16x1024xf32, #tpu.memory_space<hbm>>
    %dma_wait3A_411 = tpu.memref_squeeze %dma_wait3A_410 : memref<1x16x1024xf32, #tpu.memory_space<hbm>> -> memref<16x1024xf32, #tpu.memory_space<hbm>>
    %dma_wait3A_412 = arith.constant 0 : i32
    %dma_wait3A_413 = tpu.memref_slice %arg4[%select_n3A, %add3A_372, %dma_wait3A_412] : memref<4x2048x1024xf32, #tpu.memory_space<hbm>> -> memref<1x16x1024xf32, #tpu.memory_space<hbm>>
    %dma_wait3A_414 = tpu.memref_squeeze %dma_wait3A_413 : memref<1x16x1024xf32, #tpu.memory_space<hbm>> -> memref<16x1024xf32, #tpu.memory_space<hbm>>
    tpu.wait_dma2 semaphore(%arg21 : memref<!tpu.dma_semaphore, #tpu.memory_space<semaphore_mem>>) src(%arg9 : memref<16x1024xf32, #tpu.memory_space<vmem>>) dst(%dma_wait3A_414 : memref<16x1024xf32, #tpu.memory_space<hbm>>)
    return
  }
}

</mosaic_0001>

<sc_bundles>
// kernel: kernel.3.cloned.1.call-start
scs
__scs_entry_jumppad:
0x0: {  	(pc) =	sbr.rel $0x88, $3  }
0x1: {  	(tag) =	ssettag $0x0;
	lr =	simm.s32 $0x1  }
0x2: {  	[smem:$0x3F9F] =	sst lr;
	_ =	strace $0xD0000000  }
0x3: {  	_ = 	snop  }
0x4: {  	_ = 	snop  }
0x5: {  	_ = 	snop  }
0x6: {  	_ = 	snop  }
0x7: {  	_ = 	snop  }
__scs_overlays_trampoline_lowered:
0x8: {  	[smem:$0x3FAE] =	sst s0  }
0x9: {  	[smem:$0x3FAF] =	sst s1  }
0xa: {  	[smem:$0x3FB0] =	sst s2  }
0xb: {  	[smem:$0x3FB1] =	sst s3  }
0xc: {  	[smem:$0x3FB2] =	sst s4  }
0xd: {  	[smem:$0x3FB3] =	sst s5  }
0xe: {  	[smem:$0x3FB4] =	sst s6  }
0xf: {  	[smem:$0x3FB5] =	sst s7  }
0x10: {  	[smem:$0x3FB6] =	sst s8  }
0x11: {  	[smem:$0x3FB7] =	sst s9;
	s0 =	simm.s32 @!p0 $0x0  }
0x12: {  	s1 =	sld [smem:$0x3F9D];
	s0 =	simm.s32 @p0 $0x1  }
0x13: {  	[smem:$0x3FB8] =	sst s0;
	s0 =	simm.s32 @!p1 $0x0  }
0x14: {  	s2 =	sld [smem:$0x3F9C];
	s0 =	simm.s32 @p1 $0x1  }
0x15: {  	[smem:$0x3FB9] =	sst s0;
	s0 =	simm.s32 @!p2 $0x0  }
0x16: {  	s3 =	sld [smem:$0x3FDB];
	s0 =	simm.s32 @p2 $0x1  }
0x17: {  	s4 =	simm.s32 $0x1BF5;
	[smem:$0x3FBB] =	sst s0  }
0x18: {  	s0 =	sld [smem:$0x3F9E];
	_ =	swait.ge [sflag:s4], $0x0  }
0x19: {  	s7 =	sld [smem:$0x3F9F]  }
0x1a: {  	s8 =	sadd.s32 $0xFFFFE003, lr  }
0x1b: {  	s9 =	sadd.s32 $0xFFFFFEF7, lr;
	s5 =	simm.s32 $0xFFFFFFFF;
	p2 =	slt.u32 s8, $0xFFFFF086  }
0x1c: {  	p1 =	slt.u32 s9, $0xF7A;
	s5 =	simm.s32 @!p2 $0x0  }
0x1d: {  	s5 =	simm.s32 @p1 $0x1;
	p0 =	seq.s32 s7, s2  }
0x1e: {  	s7 =	smul.u32 @!p0 $0xF7A, s2;
	p2 =	seq.s32 @!p0 s5, $0x0  }
0x1f: {  	s9 =	smul.u32 $0xF7A, s1;
	s8 =	simm.s32 @!p0 $0x1BF5;
	p2 =	por !p2, p0  }
0x20: {  	[sflag:s8] =	ssyncset.s32 @!p0 $0xFFFFF086;
	s6 =	sadd.s32 @!p0 s3, s7;
	s7 =	simm.s32 @!p0 $0x108  }
0x21: {  	s3 =	sadd.s32 s3, s9;
	s6 =	sadd.s32 @!p0 $0x88, s6;
	s7 =	simm.s32 @p2 $0x1082  }
0x22: {  	[simem:s7], [sflag:s8] =	dma.local @!p0 [hbm:s6], $0xF7A  }
0x23: {  	s9 =	sor.u32 $0xD0000000, s2;
	s6 =	simm.s32 $0x108;
	_ =	swait.ge @!p0 [sflag:s8], $0x0  }
0x24: {  	s3 =	sadd.s32 $0x88, s3;
	s6 =	simm.s32 @!p1 $0x1082;
	[sflag:s4] =	ssyncset.s32 $0xFFFFF086  }
0x25: {  	[simem:s6], [sflag:s4] =	dma.local [hbm:s3], $0xF7A  }
0x26: {  	[smem:$0x3F9F] =	sst s1;
	(tag) =	ssettag s2;
	_ =	strace s9  }
0x27: {  	s1 =	sld [smem:$0x3FAF]  }
0x28: {  	s2 =	sld [smem:$0x3FB0]  }
0x29: {  	s4 =	sld [smem:$0x3FB2]  }
0x2a: {  	p0 =	seq.s32 s5, $0x0;
	s5 =	sld [smem:$0x3FB3]  }
0x2b: {  	s6 =	sld [smem:$0x3FB4]  }
0x2c: {  	s7 =	sld [smem:$0x3FB5]  }
0x2d: {  	s3 =	simm.s32 $0x108;
	s8 =	sld [smem:$0x3FB6]  }
0x2e: {  	s3 =	simm.s32 @!p0 $0x1082;
	s9 =	sld [smem:$0x3FB7]  }
0x2f: {  	lr =	sadd.s32 s0, s3;
	s0 =	sld [smem:$0x3FAE]  }
0x30: {  	s3 =	sld [smem:$0x3FB1]  }
0x31: {  	[smem:$0x3FBA] =	sst s10  }
0x32: {  	s10 =	sld [smem:$0x3FB8];
	_ =	sdelay $0x3  }
0x33: {  	p0 =	seq.s32 s10, $0x1;
	s10 =	sld [smem:$0x3FBA];
	_ =	sdelay $0x3  }
0x34: {  	[smem:$0x3FBA] =	sst s10  }
0x35: {  	s10 =	sld [smem:$0x3FB9];
	_ =	sdelay $0x3  }
0x36: {  	p1 =	seq.s32 s10, $0x1;
	s10 =	sld [smem:$0x3FBA];
	_ =	sdelay $0x3  }
0x37: {  	[smem:$0x3FBA] =	sst s10  }
0x38: {  	s10 =	sld [smem:$0x3FBB]  }
0x39: {  	_ = 	snop;
	(pc) =	sbr.ind lr, $3  }
0x3a: {  	_ = 	snop  }
0x3b: {  	_ = 	snop  }
0x3c: {  	p2 =	seq.s32 s10, $0x1;
	s10 =	sld [smem:$0x3FBA]  }
0x3d: {  	_ =	shalt  }
0x3e: {  	_ =	shalt  }
0x3f: {  	_ =	shalt  }
0x40: {  	_ =	shalt  }
0x41: {  	_ =	shalt  }
0x42: {  	_ =	shalt  }
0x43: {  	_ =	shalt  }
0x44: {  	_ =	shalt  }
0x45: {  	_ =	shalt  }
0x46: {  	_ =	shalt  }
0x47: {  	_ =	shalt  }
0x48: {  	_ =	shalt  }
0x49: {  	_ =	shalt  }
0x4a: {  	_ =	shalt  }
0x4b: {  	_ =	shalt  }
0x4c: {  	_ =	shalt  }
0x4d: {  	_ =	shalt  }
0x4e: {  	_ =	shalt  }
0x4f: {  	_ =	shalt  }
0x50: {  	_ =	shalt  }
0x51: {  	_ =	shalt  }
0x52: {  	_ =	shalt  }
0x53: {  	_ =	shalt  }
0x54: {  	_ =	shalt  }
0x55: {  	_ =	shalt  }
0x56: {  	_ =	shalt  }
0x57: {  	_ =	shalt  }
0x58: {  	_ =	shalt  }
0x59: {  	_ =	shalt  }
0x5a: {  	_ =	shalt  }
0x5b: {  	_ =	shalt  }
0x5c: {  	_ =	shalt  }
0x5d: {  	_ =	shalt  }
0x5e: {  	_ =	shalt  }
0x5f: {  	_ =	shalt  }
0x60: {  	_ =	shalt  }
0x61: {  	_ =	shalt  }
0x62: {  	_ =	shalt  }
0x63: {  	_ =	shalt  }
0x64: {  	_ =	shalt  }
0x65: {  	_ =	shalt  }
0x66: {  	_ =	shalt  }
0x67: {  	_ =	shalt  }
0x68: {  	_ =	shalt  }
0x69: {  	_ =	shalt  }
0x6a: {  	_ =	shalt  }
0x6b: {  	_ =	shalt  }
0x6c: {  	_ =	shalt  }
0x6d: {  	_ =	shalt  }
0x6e: {  	_ =	shalt  }
0x6f: {  	_ =	shalt  }
0x70: {  	_ =	shalt  }
0x71: {  	_ =	shalt  }
0x72: {  	_ =	shalt  }
0x73: {  	_ =	shalt  }
0x74: {  	_ =	shalt  }
0x75: {  	_ =	shalt  }
0x76: {  	_ =	shalt  }
0x77: {  	_ =	shalt  }
0x78: {  	_ =	shalt  }
0x79: {  	_ =	shalt  }
0x7a: {  	_ =	shalt  }
0x7b: {  	_ =	shalt  }
0x7c: {  	_ =	shalt  }
0x7d: {  	_ =	shalt  }
0x7e: {  	_ =	shalt  }
0x7f: {  	_ =	shalt  }
0x80: {  	_ =	shalt  }
0x81: {  	_ =	shalt  }
0x82: {  	_ =	shalt  }
0x83: {  	_ =	shalt  }
0x84: {  	_ =	shalt  }
0x85: {  	_ =	shalt  }
0x86: {  	_ =	shalt  }
0x87: {  	_ =	shalt  }
.Lfunc_end0:
.L_simem_size_0:
called_computation_lowered:
.L_overlay_start_0:
0x88: {  	s2 =	sld [smem:$0x3FD9]  }
0x89: {  	s3 =	sld [smem:$0x3FFE];
	_ =	sdelay $0x1  }
0x8a: {  	s1 =	srdreg.scid  }
0x8b: {  	s0 =	sand.u32 $0x1, s1  }
0x8c: {  	s18 =	sshll.u32 s0, $0xA;
	s2 =	sadd.s32 s3, s2  }
0x8d: {  	s2 =	sadd.s32 s2, s18  }
0x8e: {  	[smem:$0x3FC6] =	sst s2  }
0x8f: {  	_ = 	snop  }
0x90: {  	s2 =	sld [smem:$0x3FC9]  }
0x91: {  	s19 =	sld [smem:$0x3FC8]  }
0x92: {  	s4 =	sld [smem:$0x3FD0];
	(tm) =	ssettm $0x1  }
0x93: {  	s5 =	sld [smem:$0x3FFB];
	_ =	sdelay $0x3  }
0x94: {  	_ =	strace s5  }
0x95: {  	s5 =	sld [smem:$0x3FFC];
	_ =	sdelay $0x3  }
0x96: {  	_ =	strace s5  }
0x97: {  	s5 =	sld [smem:$0x3FFD];
	_ =	sdelay $0x3  }
0x98: {  	_ =	strace s5  }
0x99: {  	_ =	strace $0x8FFFFFFF  }
0x9a: {  	s20 =	sld [smem:$0x3FDB];
	_ =	sdelay $0x1  }
0x9b: {  	s6 =	simm.s32 $_scs_section_size  }
0x9c: {  	s7 =	simm.s32 $_size__tile_overlayer_lowered;
	s8 =	simm.s32 $_tile_overlayer_lowered  }
0x9d: {  	s23 =	simm.s32 $0x1BFF;
	s22 =	sshll.u32 s8, $0x1;
	s5 =	sadd.s32 s6, s20  }
0x9e: {  	s9 =	simm.s32 $0x0;
	s21 =	sshll.u32 s7, $0x1;
	s7 =	sadd.s32 s22, s5  }
0x9f: {  	[timem:s9], [sflag:s23] =	dma.local [hbm:s7], s21  }
0xa0: {  	_ =	swait.ge [sflag:s23], s21  }
0xa1: {  	s6 =	ssub.s32 $0x0, s21;
	[sflag:s23] =	ssyncset.done $0x0  }
0xa2: {  	[sflag:s23] =	ssyncadd.s32 s6;
	_ =	sdelay $0x1  }
0xa3: {  	s24 =	simm.s32 $0x1B8B  }
0xa4: {  	_ =	swait.ge [sflag:s24], $0x1  }
0xa5: {  	[sflag:s24] =	ssyncset.done $0x0  }
0xa6: {  	s25 =	simm.s32 $0x1B8E;
	[sflag:s24] =	ssyncadd.s32 $0xFFFFFFFF  }
0xa7: {  	s26 =	simm.s32 $execute0_lowered;
	[smem:$0x3FD2] =	sst s25  }
0xa8: {  	s6 =	sshll.u32 s26, $0x1;
	_ =	strace $0x80000046;
	[dreg:$0x1] =	wrdreg $0xFFFFFFFF  }
0xa9: {  	s28 =	simm.s32 $_size_execute0_lowered;
	s5 =	sadd.s32 s5, s6;
	[dreg:$0x0] =	wrdreg $0x0  }
0xaa: {  	s6 =	sshll.u32 s28, $0x1;
	[dreg:$0x2] =	wrdreg s5  }
0xab: {  	[dreg:$0x3] =	wrdreg s6  }
0xac: {  	[dreg:$0x4] =	wrdreg $0xC0  }
0xad: {  	_ =	task [dreg:s9], $0x5FFFF  }
0xae: {  	[dreg:$0x1] =	wrdreg $0xFFFFFFFF  }
0xaf: {  	[dreg:$0x0] =	wrdreg $0x60  }
0xb0: {  	[dreg:$0x2] =	wrdreg s2  }
0xb1: {  	[dreg:$0x3] =	wrdreg s19  }
0xb2: {  	[dreg:$0x4] =	wrdreg s4  }
0xb3: {  	[dreg:$0x5] =	wrdreg $0x9  }
0xb4: {  	_ =	task.clear_ibuf [dreg:s9], $0x6FFFF;
	_ =	strace $0x90000046  }
0xb5: {  	s29 =	simm.s32 $0x9;
	_ =	strace $0x80000048  }
0xb6: {  	_ =	swait.ge [sflag:s29], $0x1  }
0xb7: {  	[sflag:s29] =	ssyncadd.s32 $0xFFFFFFFF  }
0xb8: {  	_ =	strace $0x90000048  }
0xb9: {  	_ =	sfence  }
0xba: {  	s30 =	sld [smem:$0x0];
	_ =	sdelay $0x2  }
0xbb: {  	s31 =	sshll.u32 s1, $0xD;
	s1 =	sshrl.u32 s1, $0x2  }
0xbc: {  	s3 =	sand.u32 $0x4000, s31;
	s1 =	sadd.s32 s1, s30  }
0xbd: {  	s0 =	sor.u32 s3, s0;
	s1 =	sshll.u32 s1, $0x11  }
0xbe: {  	s0 =	sor.u32 s1, s0  }
0xbf: {  	s0 =	sadd.s32 $0x8F2B, s0  }
0xc0: {  	[sflag:s0] =	ssyncadd.remote.s32 $0x1  }
0xc1: {  	_ =	sfence.sel $0xFFFF  }
0xc2: {  	[dreg:$0x0] =	wrdreg $0xFFFFFFFF;
	(pc) =	sbr.abs _section_cstart, $3  }
0xc3: {  	[dreg:$0x1] =	wrdreg $0xFFFFFFFF  }
0xc4: {  	_ =	task.clear_ibuf [dreg:s9], $0x2FFFF;
	_ =	strace $0x9FFFFFFF  }
0xc5: {  	(tm) =	ssettm $0x7FFFFFFF  }
tec
execute0_lowered:
.L_overlay_start_1:
0x0: {  	(tag) =	ssettag $0x1  }
0x1: {  	s0 =	srdreg.scid  }
0x2: {  	s0 =	sand.u32 $0x1, s0  }
0x3: {  	s2 =	stileid.u32;
	s1 =	sshll.u32 s0, $0x4  }
0x4: {  	s3 =	sand.u32 $0x7, s2;
	s1 =	sor.u32 s2, s1  }
0x5: {  	p1 =	sne.s32 s3, $0x0;
	p0 =	seq.s32 s1, $0x0  }
0x6: {  	p0 =	por !p1, !p0  }
0x7: {  	s4 =	rddreg [dreg:$0x0];
	s5 =	simm.s32 $0x1;
	p0 =	por !p0, !p0  }
0x8: {  	s6 =	rddreg [dreg:$0x2];
	s1 =	sshrl.u32 s1, $0x3;
	s5 =	simm.s32 @!p0 $0x0  }
0x9: {  	s26 =	sshll.u32 s3, $0x12;
	s3 =	sshll.u32 s3, $0xA;
	s1 =	ssub.s32 s1, s5  }
0xa: {  	s7 =	sshll.u32 s1, $0xB;
	s8 =	sshll.u32 s1, $0x7;
	s1 =	sshll.u32 s1, $0x15  }
0xb: {  	s2 =	rddreg [dreg:$0x1];
	s7 =	sand.u32 $0xFFFFE000, s7;
	s1 =	sor.u32 s26, s1  }
0xc: {  	s7 =	sor.u32 s3, s7;
	s3 =	simm.s32 $0x0;
	s1 =	sshrl.u32 s1, $0x3  }
0xd: {  	s25 =	simm.s32 $0x80;
	[smem:$0x7FF] =	sst s3;
	s6 =	sadd.s32 s6, s1  }
0xe: {  	s29 =	simm.s32 $0x9;
	_ =	strace $0x80000047;
	[dreg:$0x16] =	wrdreg s6  }
0xf: {  	s30 =	simm.s32 $0x4;
	s26 =	simm.s32 $0x200;
	[dreg:$0x14] =	wrdreg s25  }
0x10: {  	s31 =	simm.s32 $0xA;
	s1 =	sadd.s32 $0x800, s6;
	[dreg:$0x15] =	wrdreg s26  }
0x11: {  	s28 =	simm.s32 $0x4100;
	s10 =	sadd.s32 $0x1000, s6;
	[dreg:$0x5] =	wrdreg s1  }
0x12: {  	s0 =	ssub.s32 $0x2, s0;
	s11 =	sadd.s32 $0x1800, s6;
	[dreg:$0x6] =	wrdreg s10  }
0x13: {  	s21 =	sshrl.u32 s0, $0x1;
	s12 =	sadd.s32 $0x2000, s6;
	[dreg:$0x7] =	wrdreg s11  }
0x14: {  	s0 =	ssub.s32 s0, s21;
	s13 =	sadd.s32 $0x2800, s6;
	[dreg:$0x8] =	wrdreg s12  }
0x15: {  	s21 =	simm.s32 $0x16900;
	s14 =	sadd.s32 $0x3000, s6;
	[dreg:$0x9] =	wrdreg s13  }
0x16: {  	s8 =	sand.u32 $0x180, s8;
	s15 =	sadd.s32 $0x3800, s6;
	[dreg:$0xa] =	wrdreg s14  }
0x17: {  	s7 =	sor.u32 s8, s7;
	s16 =	sadd.s32 $0x4000, s6;
	[dreg:$0xb] =	wrdreg s15  }
0x18: {  	s8 =	sadd.s32 $0x300, s2;
	s17 =	sadd.s32 $0x4800, s6;
	[dreg:$0xc] =	wrdreg s16  }
0x19: {  	s9 =	sshrl.u32 s7, $0x3;
	s18 =	sadd.s32 $0x5000, s6;
	[dreg:$0xd] =	wrdreg s17  }
0x1a: {  	s19 =	sadd.s32 $0x5800, s6;
	s20 =	sadd.s32 $0x6000, s6;
	[dreg:$0xe] =	wrdreg s18  }
0x1b: {  	s22 =	sadd.s32 $0x6800, s6;
	s23 =	sadd.s32 $0x7000, s6;
	[dreg:$0xf] =	wrdreg s19  }
0x1c: {  	s24 =	sadd.s32 $0x7800, s6;
	s6 =	sadd.s32 $0x100, s2;
	[dreg:$0x10] =	wrdreg s20  }
0x1d: {  	s7 =	sadd.s32 $0x200, s2;
	s25 =	simm.s32 $0x8;
	[dreg:$0x11] =	wrdreg s22  }
0x1e: {  	s26 =	simm.s32 $0x3;
	s4 =	sadd.s32 s4, s9;
	[dreg:$0x12] =	wrdreg s23  }
0x1f: {  	v2 =	vlaneseq.u32;
	s20 =	simm.s32 $0x1;
	[dreg:$0x13] =	wrdreg s24;
	s9 =	smax.u32 s0, $0x1  }
0x20: {  	vm0 =	vmmov $0xffff;
	v1 =	vshrl.u32 v2, $0x3;
	s23 =	simm.s32 $0x7;
	s24 =	simm.s32 $0x2;
	s19 =	simm.s32 $0x100  }
0x21: {  	v0 =	vand.u32 $0x7, v2;
	v2 =	vor.u32 $0x8, v2;
	v1 =	vmul.u32 $0x8, v1;
	s12 =	simm.s32 $0x10900;
	s22 =	simm.s32 $0x11100;
	[dreg:$0x4] =	wrdreg s4  }
.LBB2_1:
0x22: {  	s13 =	rddreg [dreg:$0x4]  }
0x23: {  	s14 =	rddreg [dreg:$0x14]  }
0x24: {  	s15 =	rddreg [dreg:$0x15];
	s5 =	simm.s32 $0xD  }
0x25: {  	[tilespmem:s3], [sflag:$0xD] =	stream.strided.gather [hbm4b:s13+s14], $0x100, s15, s14, $0x38;
	[tilespmem:$0x18100] =	vst v63  }
0x26: {  	_ =	swait.ge [sflag:s5], $0x100  }
0x27: {  	[sflag:s5] =	ssyncset.done $0x0  }
0x28: {  	[sflag:s5] =	ssyncadd.s32 $0xFFFFFF00  }
0x29: {  	v3 =	vld [tilespmem:$0x0];
	_ =	sdelay $0x4  }
0x2a: {  	v4 =	vshll.u32 v3, $0x3  }
0x2b: {  	v3 =	vand.u32 $0x7, v3;
	v4 =	vand.u32 $0xFFFFFFC0, v4  }
0x2c: {  	v3 =	vor.u32 v3, v4  }
0x2d: {  	v4 =	vperm.xlane v3, v0;
	_ =	sdelay $0x1  }
0x2e: {  	v4 =	vadd.s32 v1, v4;
	_ =	sdelay $0x4  }
0x2f: {  	[tilespmem:s19], [sflag:$0x1] =	stream.indirect_vreg.gather [hbm4b:s2+s3], $0x80, v4, vm0, $0xb8;
	[tilespmem:$0x18100] =	vst v63  }
0x30: {  	s0 =	simm.s32 $0x900;
	v3 =	vperm.xlane v3, v2  }
0x31: {  	[tilespmem:s0], [sflag:$0x1] =	stream.indirect_vreg.gather [hbm4b:s6+s3], $0x80, v4, vm0, $0xb8;
	[tilespmem:$0x18100] =	vst v63  }
0x32: {  	s10 =	simm.s32 $0x1100;
	v3 =	vadd.s32 v1, v3  }
0x33: {  	[tilespmem:s10], [sflag:$0x1] =	stream.indirect_vreg.gather [hbm4b:s7+s3], $0x80, v4, vm0, $0xb8;
	[tilespmem:$0x18100] =	vst v63  }
0x34: {  	s11 =	simm.s32 $0x1900  }
0x35: {  	[tilespmem:s11], [sflag:$0x1] =	stream.indirect_vreg.gather [hbm4b:s8+s3], $0x80, v4, vm0, $0xb8;
	[tilespmem:$0x18100] =	vst v63  }
0x36: {  	s13 =	simm.s32 $0x2100  }
0x37: {  	[tilespmem:s13], [sflag:$0x1] =	stream.indirect_vreg.gather [hbm4b:s2+s3], $0x80, v3, vm0, $0xb8;
	[tilespmem:$0x18100] =	vst v63  }
0x38: {  	s14 =	simm.s32 $0x2900  }
0x39: {  	[tilespmem:s14], [sflag:$0x1] =	stream.indirect_vreg.gather [hbm4b:s6+s3], $0x80, v3, vm0, $0xb8;
	[tilespmem:$0x18100] =	vst v63  }
0x3a: {  	s15 =	simm.s32 $0x3100  }
0x3b: {  	[tilespmem:s15], [sflag:$0x1] =	stream.indirect_vreg.gather [hbm4b:s7+s3], $0x80, v3, vm0, $0xb8;
	[tilespmem:$0x18100] =	vst v63  }
0x3c: {  	s17 =	simm.s32 $0x3900  }
0x3d: {  	[tilespmem:s17], [sflag:$0x1] =	stream.indirect_vreg.gather [hbm4b:s8+s3], $0x80, v3, vm0, $0xb8;
	[tilespmem:$0x18100] =	vst v63  }
0x3e: {  	v3 =	vld [tilespmem:$0x10];
	_ =	sdelay $0x4  }
0x3f: {  	v49 =	vshll.u32 v3, $0x3  }
0x40: {  	v3 =	vand.u32 $0x7, v3;
	v4 =	vand.u32 $0xFFFFFFC0, v49  }
0x41: {  	v3 =	vor.u32 v3, v4  }
0x42: {  	v4 =	vperm.xlane v3, v0;
	_ =	sdelay $0x1  }
0x43: {  	v4 =	vadd.s32 v1, v4;
	_ =	sdelay $0x4  }
0x44: {  	[tilespmem:s28], [sflag:$0x2] =	stream.indirect_vreg.gather [hbm4b:s2+s3], $0x80, v4, vm0, $0xb8;
	[tilespmem:$0x18100] =	vst v63  }
0x45: {  	s1 =	simm.s32 $0x4900;
	v3 =	vperm.xlane v3, v2  }
0x46: {  	[tilespmem:s1], [sflag:$0x2] =	stream.indirect_vreg.gather [hbm4b:s6+s3], $0x80, v4, vm0, $0xb8;
	[tilespmem:$0x18100] =	vst v63  }
0x47: {  	s4 =	simm.s32 $0x5100;
	v3 =	vadd.s32 v1, v3  }
0x48: {  	[tilespmem:s4], [sflag:$0x2] =	stream.indirect_vreg.gather [hbm4b:s7+s3], $0x80, v4, vm0, $0xb8;
	[tilespmem:$0x18100] =	vst v63  }
0x49: {  	s5 =	simm.s32 $0x5900  }
0x4a: {  	[tilespmem:s5], [sflag:$0x2] =	stream.indirect_vreg.gather [hbm4b:s8+s3], $0x80, v4, vm0, $0xb8;
	[tilespmem:$0x18100] =	vst v63  }
0x4b: {  	s10 =	simm.s32 $0x6100  }
0x4c: {  	[tilespmem:s10], [sflag:$0x2] =	stream.indirect_vreg.gather [hbm4b:s2+s3], $0x80, v3, vm0, $0xb8;
	[tilespmem:$0x18100] =	vst v63  }
0x4d: {  	s11 =	simm.s32 $0x6900  }
0x4e: {  	[tilespmem:s11], [sflag:$0x2] =	stream.indirect_vreg.gather [hbm4b:s6+s3], $0x80, v3, vm0, $0xb8;
	[tilespmem:$0x18100] =	vst v63  }
0x4f: {  	s13 =	simm.s32 $0x7100  }
0x50: {  	[tilespmem:s13], [sflag:$0x2] =	stream.indirect_vreg.gather [hbm4b:s7+s3], $0x80, v3, vm0, $0xb8;
	[tilespmem:$0x18100] =	vst v63  }
0x51: {  	s14 =	simm.s32 $0x7900  }
0x52: {  	[tilespmem:s14], [sflag:$0x2] =	stream.indirect_vreg.gather [hbm4b:s8+s3], $0x80, v3, vm0, $0xb8;
	[tilespmem:$0x18100] =	vst v63  }
0x53: {  	v3 =	vld [tilespmem:$0x20];
	_ =	sdelay $0x4  }
0x54: {  	v50 =	vshll.u32 v3, $0x3  }
0x55: {  	v3 =	vand.u32 $0x7, v3;
	v4 =	vand.u32 $0xFFFFFFC0, v50  }
0x56: {  	v3 =	vor.u32 v3, v4  }
0x57: {  	v4 =	vperm.xlane v3, v0;
	_ =	sdelay $0x1  }
0x58: {  	v4 =	vadd.s32 v1, v4;
	_ =	sdelay $0x3  }
0x59: {  	s0 =	simm.s32 $0x8100  }
0x5a: {  	[tilespmem:s0], [sflag:$0x3] =	stream.indirect_vreg.gather [hbm4b:s2+s3], $0x80, v4, vm0, $0xb8;
	[tilespmem:$0x18100] =	vst v63  }
0x5b: {  	s1 =	simm.s32 $0x8900;
	v3 =	vperm.xlane v3, v2  }
0x5c: {  	[tilespmem:s1], [sflag:$0x3] =	stream.indirect_vreg.gather [hbm4b:s6+s3], $0x80, v4, vm0, $0xb8;
	[tilespmem:$0x18100] =	vst v63  }
0x5d: {  	s15 =	simm.s32 $0x9100;
	v3 =	vadd.s32 v1, v3  }
0x5e: {  	[tilespmem:s15], [sflag:$0x3] =	stream.indirect_vreg.gather [hbm4b:s7+s3], $0x80, v4, vm0, $0xb8;
	[tilespmem:$0x18100] =	vst v63  }
0x5f: {  	s4 =	simm.s32 $0x9900  }
0x60: {  	[tilespmem:s4], [sflag:$0x3] =	stream.indirect_vreg.gather [hbm4b:s8+s3], $0x80, v4, vm0, $0xb8;
	[tilespmem:$0x18100] =	vst v63  }
0x61: {  	s5 =	simm.s32 $0xA100  }
0x62: {  	[tilespmem:s5], [sflag:$0x3] =	stream.indirect_vreg.gather [hbm4b:s2+s3], $0x80, v3, vm0, $0xb8;
	[tilespmem:$0x18100] =	vst v63  }
0x63: {  	s10 =	simm.s32 $0xA900  }
0x64: {  	[tilespmem:s10], [sflag:$0x3] =	stream.indirect_vreg.gather [hbm4b:s6+s3], $0x80, v3, vm0, $0xb8;
	[tilespmem:$0x18100] =	vst v63  }
0x65: {  	s11 =	simm.s32 $0xB100  }
0x66: {  	[tilespmem:s11], [sflag:$0x3] =	stream.indirect_vreg.gather [hbm4b:s7+s3], $0x80, v3, vm0, $0xb8;
	[tilespmem:$0x18100] =	vst v63  }
0x67: {  	s13 =	simm.s32 $0xB900  }
0x68: {  	[tilespmem:s13], [sflag:$0x3] =	stream.indirect_vreg.gather [hbm4b:s8+s3], $0x80, v3, vm0, $0xb8;
	[tilespmem:$0x18100] =	vst v63  }
0x69: {  	v3 =	vld [tilespmem:$0x30];
	_ =	sdelay $0x4  }
0x6a: {  	v51 =	vshll.u32 v3, $0x3  }
0x6b: {  	v3 =	vand.u32 $0x7, v3;
	v4 =	vand.u32 $0xFFFFFFC0, v51  }
0x6c: {  	v3 =	vor.u32 v3, v4  }
0x6d: {  	v4 =	vperm.xlane v3, v0;
	_ =	sdelay $0x1  }
0x6e: {  	v4 =	vadd.s32 v1, v4;
	_ =	sdelay $0x3  }
0x6f: {  	s1 =	simm.s32 $0xC100  }
0x70: {  	[tilespmem:s1], [sflag:$0x4] =	stream.indirect_vreg.gather [hbm4b:s2+s3], $0x80, v4, vm0, $0xb8;
	[tilespmem:$0x18100] =	vst v63  }
0x71: {  	s4 =	simm.s32 $0xC900;
	v3 =	vperm.xlane v3, v2  }
0x72: {  	[tilespmem:s4], [sflag:$0x4] =	stream.indirect_vreg.gather [hbm4b:s6+s3], $0x80, v4, vm0, $0xb8;
	[tilespmem:$0x18100] =	vst v63  }
0x73: {  	s14 =	simm.s32 $0xD100;
	v3 =	vadd.s32 v1, v3  }
0x74: {  	[tilespmem:s14], [sflag:$0x4] =	stream.indirect_vreg.gather [hbm4b:s7+s3], $0x80, v4, vm0, $0xb8;
	[tilespmem:$0x18100] =	vst v63  }
0x75: {  	s15 =	simm.s32 $0xD900  }
0x76: {  	[tilespmem:s15], [sflag:$0x4] =	stream.indirect_vreg.gather [hbm4b:s8+s3], $0x80, v4, vm0, $0xb8;
	[tilespmem:$0x18100] =	vst v63  }
0x77: {  	s5 =	simm.s32 $0xE100  }
0x78: {  	[tilespmem:s5], [sflag:$0x4] =	stream.indirect_vreg.gather [hbm4b:s2+s3], $0x80, v3, vm0, $0xb8;
	[tilespmem:$0x18100] =	vst v63  }
0x79: {  	s10 =	simm.s32 $0xE900  }
0x7a: {  	[tilespmem:s10], [sflag:$0x4] =	stream.indirect_vreg.gather [hbm4b:s6+s3], $0x80, v3, vm0, $0xb8;
	[tilespmem:$0x18100] =	vst v63  }
0x7b: {  	s11 =	simm.s32 $0xF100  }
0x7c: {  	[tilespmem:s11], [sflag:$0x4] =	stream.indirect_vreg.gather [hbm4b:s7+s3], $0x80, v3, vm0, $0xb8;
	[tilespmem:$0x18100] =	vst v63  }
0x7d: {  	s13 =	simm.s32 $0xF900  }
0x7e: {  	[tilespmem:s13], [sflag:$0x4] =	stream.indirect_vreg.gather [hbm4b:s8+s3], $0x80, v3, vm0, $0xb8;
	[tilespmem:$0x18100] =	vst v63  }
0x7f: {  	v3 =	vld [tilespmem:$0x40];
	_ =	sdelay $0x4  }
0x80: {  	v52 =	vshll.u32 v3, $0x3  }
0x81: {  	v3 =	vand.u32 $0x7, v3;
	v4 =	vand.u32 $0xFFFFFFC0, v52  }
0x82: {  	v3 =	vor.u32 v3, v4  }
0x83: {  	v4 =	vperm.xlane v3, v0;
	_ =	sdelay $0x1  }
0x84: {  	v4 =	vadd.s32 v1, v4;
	_ =	sdelay $0x3  }
0x85: {  	s14 =	simm.s32 $0x10100  }
0x86: {  	[tilespmem:s14], [sflag:$0x5] =	stream.indirect_vreg.gather [hbm4b:s2+s3], $0x80, v4, vm0, $0xb8;
	[tilespmem:$0x18100] =	vst v63  }
0x87: {  	v3 =	vperm.xlane v3, v2  }
0x88: {  	[tilespmem:s12], [sflag:$0x5] =	stream.indirect_vreg.gather [hbm4b:s6+s3], $0x80, v4, vm0, $0xb8;
	[tilespmem:$0x18100] =	vst v63  }
0x89: {  	v3 =	vadd.s32 v1, v3  }
0x8a: {  	[tilespmem:s22], [sflag:$0x5] =	stream.indirect_vreg.gather [hbm4b:s7+s3], $0x80, v4, vm0, $0xb8;
	[tilespmem:$0x18100] =	vst v63  }
0x8b: {  	s4 =	simm.s32 $0x11900  }
0x8c: {  	[tilespmem:s4], [sflag:$0x5] =	stream.indirect_vreg.gather [hbm4b:s8+s3], $0x80, v4, vm0, $0xb8;
	[tilespmem:$0x18100] =	vst v63  }
0x8d: {  	s10 =	simm.s32 $0x12100  }
0x8e: {  	[tilespmem:s10], [sflag:$0x5] =	stream.indirect_vreg.gather [hbm4b:s2+s3], $0x80, v3, vm0, $0xb8;
	[tilespmem:$0x18100] =	vst v63  }
0x8f: {  	s5 =	simm.s32 $0x12900  }
0x90: {  	[tilespmem:s5], [sflag:$0x5] =	stream.indirect_vreg.gather [hbm4b:s6+s3], $0x80, v3, vm0, $0xb8;
	[tilespmem:$0x18100] =	vst v63  }
0x91: {  	s11 =	simm.s32 $0x13100  }
0x92: {  	[tilespmem:s11], [sflag:$0x5] =	stream.indirect_vreg.gather [hbm4b:s7+s3], $0x80, v3, vm0, $0xb8;
	[tilespmem:$0x18100] =	vst v63  }
0x93: {  	s14 =	simm.s32 $0x13900  }
0x94: {  	[tilespmem:s14], [sflag:$0x5] =	stream.indirect_vreg.gather [hbm4b:s8+s3], $0x80, v3, vm0, $0xb8;
	[tilespmem:$0x18100] =	vst v63  }
0x95: {  	v3 =	vld [tilespmem:$0x50];
	_ =	sdelay $0x4  }
0x96: {  	v53 =	vshll.u32 v3, $0x3  }
0x97: {  	v3 =	vand.u32 $0x7, v3;
	v4 =	vand.u32 $0xFFFFFFC0, v53  }
0x98: {  	v3 =	vor.u32 v3, v4  }
0x99: {  	v4 =	vperm.xlane v3, v0;
	_ =	sdelay $0x1  }
0x9a: {  	v4 =	vadd.s32 v1, v4;
	_ =	sdelay $0x3  }
0x9b: {  	s15 =	simm.s32 $0x14100  }
0x9c: {  	[tilespmem:s15], [sflag:$0x6] =	stream.indirect_vreg.gather [hbm4b:s2+s3], $0x80, v4, vm0, $0xb8;
	[tilespmem:$0x18100] =	vst v63  }
0x9d: {  	v3 =	vperm.xlane v3, v2;
	s15 =	simm.s32 $0x14900  }
0x9e: {  	[tilespmem:s15], [sflag:$0x6] =	stream.indirect_vreg.gather [hbm4b:s6+s3], $0x80, v4, vm0, $0xb8;
	[tilespmem:$0x18100] =	vst v63  }
0x9f: {  	s13 =	simm.s32 $0x15100;
	v3 =	vadd.s32 v1, v3  }
0xa0: {  	[tilespmem:s13], [sflag:$0x6] =	stream.indirect_vreg.gather [hbm4b:s7+s3], $0x80, v4, vm0, $0xb8;
	[tilespmem:$0x18100] =	vst v63  }
0xa1: {  	s13 =	simm.s32 $0x15900  }
0xa2: {  	[tilespmem:s13], [sflag:$0x6] =	stream.indirect_vreg.gather [hbm4b:s8+s3], $0x80, v4, vm0, $0xb8;
	[tilespmem:$0x18100] =	vst v63  }
0xa3: {  	s13 =	simm.s32 $0x16100  }
0xa4: {  	[tilespmem:s13], [sflag:$0x6] =	stream.indirect_vreg.gather [hbm4b:s2+s3], $0x80, v3, vm0, $0xb8;
	[tilespmem:$0x18100] =	vst v63  }
0xa5: {  	_ = 	snop  }
0xa6: {  	[tilespmem:s21], [sflag:$0x6] =	stream.indirect_vreg.gather [hbm4b:s6+s3], $0x80, v3, vm0, $0xb8;
	[tilespmem:$0x18100] =	vst v63  }
0xa7: {  	s13 =	simm.s32 $0x17100  }
0xa8: {  	[tilespmem:s13], [sflag:$0x6] =	stream.indirect_vreg.gather [hbm4b:s7+s3], $0x80, v3, vm0, $0xb8;
	[tilespmem:$0x18100] =	vst v63  }
0xa9: {  	s13 =	simm.s32 $0x17900  }
0xaa: {  	[tilespmem:s13], [sflag:$0x6] =	stream.indirect_vreg.gather [hbm4b:s8+s3], $0x80, v3, vm0, $0xb8;
	[tilespmem:$0x18100] =	vst v63  }
0xab: {  	_ =	swait.ge [sflag:s20], $0x4000  }
0xac: {  	[sflag:s20] =	ssyncset.done $0x0  }
0xad: {  	s13 =	rddreg [dreg:$0x16];
	[sflag:s20] =	ssyncadd.s32 $0xFFFFC000  }
0xae: {  	[hbm4b:s13+s3] =	stream.linear.scatter [tilespmem:s19], [sflag:$0x7], $0x4000, $0x38;
	[tilespmem:$0x18100] =	vst v63  }
0xaf: {  	_ =	swait.ge [sflag:s23], $0x4000  }
0xb0: {  	[sflag:s23] =	ssyncset.done $0x0  }
0xb1: {  	[sflag:s23] =	ssyncadd.s32 $0xFFFFC000  }
0xb2: {  	v3 =	vld [tilespmem:$0x60];
	_ =	sdelay $0x4  }
0xb3: {  	v54 =	vshll.u32 v3, $0x3  }
0xb4: {  	v3 =	vand.u32 $0x7, v3;
	v4 =	vand.u32 $0xFFFFFFC0, v54  }
0xb5: {  	v3 =	vor.u32 v3, v4  }
0xb6: {  	v4 =	vperm.xlane v3, v0;
	_ =	sdelay $0x1  }
0xb7: {  	v4 =	vadd.s32 v1, v4;
	_ =	sdelay $0x4  }
0xb8: {  	[tilespmem:s19], [sflag:$0x1] =	stream.indirect_vreg.gather [hbm4b:s2+s3], $0x80, v4, vm0, $0xb8;
	[tilespmem:$0x18100] =	vst v63  }
0xb9: {  	s16 =	simm.s32 $0x900;
	v3 =	vperm.xlane v3, v2  }
0xba: {  	[tilespmem:s16], [sflag:$0x1] =	stream.indirect_vreg.gather [hbm4b:s6+s3], $0x80, v4, vm0, $0xb8;
	[tilespmem:$0x18100] =	vst v63  }
0xbb: {  	v3 =	vadd.s32 v1, v3;
	s16 =	simm.s32 $0x1100  }
0xbc: {  	[tilespmem:s16], [sflag:$0x1] =	stream.indirect_vreg.gather [hbm4b:s7+s3], $0x80, v4, vm0, $0xb8;
	[tilespmem:$0x18100] =	vst v63  }
0xbd: {  	s16 =	simm.s32 $0x1900  }
0xbe: {  	[tilespmem:s16], [sflag:$0x1] =	stream.indirect_vreg.gather [hbm4b:s8+s3], $0x80, v4, vm0, $0xb8;
	[tilespmem:$0x18100] =	vst v63  }
0xbf: {  	s18 =	simm.s32 $0x2100  }
0xc0: {  	[tilespmem:s18], [sflag:$0x1] =	stream.indirect_vreg.gather [hbm4b:s2+s3], $0x80, v3, vm0, $0xb8;
	[tilespmem:$0x18100] =	vst v63  }
0xc1: {  	s18 =	simm.s32 $0x2900  }
0xc2: {  	[tilespmem:s18], [sflag:$0x1] =	stream.indirect_vreg.gather [hbm4b:s6+s3], $0x80, v3, vm0, $0xb8;
	[tilespmem:$0x18100] =	vst v63  }
0xc3: {  	s16 =	simm.s32 $0x3100  }
0xc4: {  	[tilespmem:s16], [sflag:$0x1] =	stream.indirect_vreg.gather [hbm4b:s7+s3], $0x80, v3, vm0, $0xb8;
	[tilespmem:$0x18100] =	vst v63  }
0xc5: {  	s17 =	simm.s32 $0x3900  }
0xc6: {  	[tilespmem:s17], [sflag:$0x1] =	stream.indirect_vreg.gather [hbm4b:s8+s3], $0x80, v3, vm0, $0xb8;
	[tilespmem:$0x18100] =	vst v63  }
0xc7: {  	_ =	swait.ge [sflag:s24], $0x4000  }
0xc8: {  	[sflag:s24] =	ssyncset.done $0x0  }
0xc9: {  	s17 =	rddreg [dreg:$0x5];
	[sflag:s24] =	ssyncadd.s32 $0xFFFFC000  }
0xca: {  	[hbm4b:s17+s3] =	stream.linear.scatter [tilespmem:s28], [sflag:$0x8], $0x4000, $0x38;
	[tilespmem:$0x18100] =	vst v63  }
0xcb: {  	_ =	swait.ge [sflag:s25], $0x4000  }
0xcc: {  	[sflag:s25] =	ssyncset.done $0x0  }
0xcd: {  	[sflag:s25] =	ssyncadd.s32 $0xFFFFC000  }
0xce: {  	v3 =	vld [tilespmem:$0x70];
	_ =	sdelay $0x4  }
0xcf: {  	v55 =	vshll.u32 v3, $0x3  }
0xd0: {  	v3 =	vand.u32 $0x7, v3;
	v4 =	vand.u32 $0xFFFFFFC0, v55  }
0xd1: {  	v3 =	vor.u32 v3, v4  }
0xd2: {  	v4 =	vperm.xlane v3, v0;
	_ =	sdelay $0x1  }
0xd3: {  	v4 =	vadd.s32 v1, v4;
	_ =	sdelay $0x4  }
0xd4: {  	[tilespmem:s28], [sflag:$0x2] =	stream.indirect_vreg.gather [hbm4b:s2+s3], $0x80, v4, vm0, $0xb8;
	[tilespmem:$0x18100] =	vst v63  }
0xd5: {  	s18 =	simm.s32 $0x4900;
	v3 =	vperm.xlane v3, v2  }
0xd6: {  	[tilespmem:s18], [sflag:$0x2] =	stream.indirect_vreg.gather [hbm4b:s6+s3], $0x80, v4, vm0, $0xb8;
	[tilespmem:$0x18100] =	vst v63  }
0xd7: {  	s16 =	simm.s32 $0x5100;
	v3 =	vadd.s32 v1, v3  }
0xd8: {  	[tilespmem:s16], [sflag:$0x2] =	stream.indirect_vreg.gather [hbm4b:s7+s3], $0x80, v4, vm0, $0xb8;
	[tilespmem:$0x18100] =	vst v63  }
0xd9: {  	s17 =	simm.s32 $0x5900  }
0xda: {  	[tilespmem:s17], [sflag:$0x2] =	stream.indirect_vreg.gather [hbm4b:s8+s3], $0x80, v4, vm0, $0xb8;
	[tilespmem:$0x18100] =	vst v63  }
0xdb: {  	s18 =	simm.s32 $0x6100  }
0xdc: {  	[tilespmem:s18], [sflag:$0x2] =	stream.indirect_vreg.gather [hbm4b:s2+s3], $0x80, v3, vm0, $0xb8;
	[tilespmem:$0x18100] =	vst v63  }
0xdd: {  	s16 =	simm.s32 $0x6900  }
0xde: {  	[tilespmem:s16], [sflag:$0x2] =	stream.indirect_vreg.gather [hbm4b:s6+s3], $0x80, v3, vm0, $0xb8;
	[tilespmem:$0x18100] =	vst v63  }
0xdf: {  	s17 =	simm.s32 $0x7100  }
0xe0: {  	[tilespmem:s17], [sflag:$0x2] =	stream.indirect_vreg.gather [hbm4b:s7+s3], $0x80, v3, vm0, $0xb8;
	[tilespmem:$0x18100] =	vst v63  }
0xe1: {  	s18 =	simm.s32 $0x7900  }
0xe2: {  	[tilespmem:s18], [sflag:$0x2] =	stream.indirect_vreg.gather [hbm4b:s8+s3], $0x80, v3, vm0, $0xb8;
	[tilespmem:$0x18100] =	vst v63  }
0xe3: {  	_ =	swait.ge [sflag:s26], $0x4000  }
0xe4: {  	[sflag:s26] =	ssyncset.done $0x0  }
0xe5: {  	s16 =	rddreg [dreg:$0x6];
	[sflag:s26] =	ssyncadd.s32 $0xFFFFC000  }
0xe6: {  	[hbm4b:s16+s3] =	stream.linear.scatter [tilespmem:s0], [sflag:$0x9], $0x4000, $0x38;
	[tilespmem:$0x18100] =	vst v63  }
0xe7: {  	_ =	swait.ge [sflag:s29], $0x4000  }
0xe8: {  	[sflag:s29] =	ssyncset.done $0x0  }
0xe9: {  	[sflag:s29] =	ssyncadd.s32 $0xFFFFC000  }
0xea: {  	v3 =	vld [tilespmem:$0x80];
	_ =	sdelay $0x4  }
0xeb: {  	v56 =	vshll.u32 v3, $0x3  }
0xec: {  	v3 =	vand.u32 $0x7, v3;
	v4 =	vand.u32 $0xFFFFFFC0, v56  }
0xed: {  	v3 =	vor.u32 v3, v4  }
0xee: {  	v4 =	vperm.xlane v3, v0;
	_ =	sdelay $0x1  }
0xef: {  	v4 =	vadd.s32 v1, v4;
	_ =	sdelay $0x4  }
0xf0: {  	[tilespmem:s0], [sflag:$0x3] =	stream.indirect_vreg.gather [hbm4b:s2+s3], $0x80, v4, vm0, $0xb8;
	[tilespmem:$0x18100] =	vst v63  }
0xf1: {  	s17 =	simm.s32 $0x8900;
	v3 =	vperm.xlane v3, v2  }
0xf2: {  	[tilespmem:s17], [sflag:$0x3] =	stream.indirect_vreg.gather [hbm4b:s6+s3], $0x80, v4, vm0, $0xb8;
	[tilespmem:$0x18100] =	vst v63  }
0xf3: {  	s18 =	simm.s32 $0x9100;
	v3 =	vadd.s32 v1, v3  }
0xf4: {  	[tilespmem:s18], [sflag:$0x3] =	stream.indirect_vreg.gather [hbm4b:s7+s3], $0x80, v4, vm0, $0xb8;
	[tilespmem:$0x18100] =	vst v63  }
0xf5: {  	s16 =	simm.s32 $0x9900  }
0xf6: {  	[tilespmem:s16], [sflag:$0x3] =	stream.indirect_vreg.gather [hbm4b:s8+s3], $0x80, v4, vm0, $0xb8;
	[tilespmem:$0x18100] =	vst v63  }
0xf7: {  	s17 =	simm.s32 $0xA100  }
0xf8: {  	[tilespmem:s17], [sflag:$0x3] =	stream.indirect_vreg.gather [hbm4b:s2+s3], $0x80, v3, vm0, $0xb8;
	[tilespmem:$0x18100] =	vst v63  }
0xf9: {  	s18 =	simm.s32 $0xA900  }
0xfa: {  	[tilespmem:s18], [sflag:$0x3] =	stream.indirect_vreg.gather [hbm4b:s6+s3], $0x80, v3, vm0, $0xb8;
	[tilespmem:$0x18100] =	vst v63  }
0xfb: {  	s16 =	simm.s32 $0xB100  }
0xfc: {  	[tilespmem:s16], [sflag:$0x3] =	stream.indirect_vreg.gather [hbm4b:s7+s3], $0x80, v3, vm0, $0xb8;
	[tilespmem:$0x18100] =	vst v63  }
0xfd: {  	s17 =	simm.s32 $0xB900  }
0xfe: {  	[tilespmem:s17], [sflag:$0x3] =	stream.indirect_vreg.gather [hbm4b:s8+s3], $0x80, v3, vm0, $0xb8;
	[tilespmem:$0x18100] =	vst v63  }
0xff: {  	_ =	swait.ge [sflag:s30], $0x4000  }
0x100: {  	[sflag:s30] =	ssyncset.done $0x0  }
0x101: {  	s18 =	rddreg [dreg:$0x7];
	[sflag:s30] =	ssyncadd.s32 $0xFFFFC000  }
0x102: {  	[hbm4b:s18+s3] =	stream.linear.scatter [tilespmem:s1], [sflag:$0xA], $0x4000, $0x38;
	[tilespmem:$0x18100] =	vst v63  }
0x103: {  	_ =	swait.ge [sflag:s31], $0x4000  }
0x104: {  	[sflag:s31] =	ssyncset.done $0x0  }
0x105: {  	[sflag:s31] =	ssyncadd.s32 $0xFFFFC000  }
0x106: {  	v3 =	vld [tilespmem:$0x90];
	_ =	sdelay $0x4  }
0x107: {  	v57 =	vshll.u32 v3, $0x3  }
0x108: {  	v3 =	vand.u32 $0x7, v3;
	v4 =	vand.u32 $0xFFFFFFC0, v57  }
0x109: {  	v3 =	vor.u32 v3, v4  }
0x10a: {  	v4 =	vperm.xlane v3, v0;
	_ =	sdelay $0x1  }
0x10b: {  	v4 =	vadd.s32 v1, v4;
	_ =	sdelay $0x4  }
0x10c: {  	[tilespmem:s1], [sflag:$0x4] =	stream.indirect_vreg.gather [hbm4b:s2+s3], $0x80, v4, vm0, $0xb8;
	[tilespmem:$0x18100] =	vst v63  }
0x10d: {  	s16 =	simm.s32 $0xC900;
	v3 =	vperm.xlane v3, v2  }
0x10e: {  	[tilespmem:s16], [sflag:$0x4] =	stream.indirect_vreg.gather [hbm4b:s6+s3], $0x80, v4, vm0, $0xb8;
	[tilespmem:$0x18100] =	vst v63  }
0x10f: {  	s17 =	simm.s32 $0xD100;
	v3 =	vadd.s32 v1, v3  }
0x110: {  	[tilespmem:s17], [sflag:$0x4] =	stream.indirect_vreg.gather [hbm4b:s7+s3], $0x80, v4, vm0, $0xb8;
	[tilespmem:$0x18100] =	vst v63  }
0x111: {  	s18 =	simm.s32 $0xD900  }
0x112: {  	[tilespmem:s18], [sflag:$0x4] =	stream.indirect_vreg.gather [hbm4b:s8+s3], $0x80, v4, vm0, $0xb8;
	[tilespmem:$0x18100] =	vst v63  }
0x113: {  	s16 =	simm.s32 $0xE100  }
0x114: {  	[tilespmem:s16], [sflag:$0x4] =	stream.indirect_vreg.gather [hbm4b:s2+s3], $0x80, v3, vm0, $0xb8;
	[tilespmem:$0x18100] =	vst v63  }
0x115: {  	s17 =	simm.s32 $0xE900  }
0x116: {  	[tilespmem:s17], [sflag:$0x4] =	stream.indirect_vreg.gather [hbm4b:s6+s3], $0x80, v3, vm0, $0xb8;
	[tilespmem:$0x18100] =	vst v63  }
0x117: {  	s18 =	simm.s32 $0xF100  }
0x118: {  	[tilespmem:s18], [sflag:$0x4] =	stream.indirect_vreg.gather [hbm4b:s7+s3], $0x80, v3, vm0, $0xb8;
	[tilespmem:$0x18100] =	vst v63  }
0x119: {  	s16 =	simm.s32 $0xF900  }
0x11a: {  	[tilespmem:s16], [sflag:$0x4] =	stream.indirect_vreg.gather [hbm4b:s8+s3], $0x80, v3, vm0, $0xb8;
	[tilespmem:$0x18100] =	vst v63  }
0x11b: {  	s16 =	simm.s32 $0x5  }
0x11c: {  	_ =	swait.ge [sflag:s16], $0x4000  }
0x11d: {  	[sflag:s16] =	ssyncset.done $0x0  }
0x11e: {  	s18 =	simm.s32 $0x10100;
	s17 =	rddreg [dreg:$0x8];
	[sflag:s16] =	ssyncadd.s32 $0xFFFFC000  }
0x11f: {  	[hbm4b:s17+s3] =	stream.linear.scatter [tilespmem:s18], [sflag:$0xB], $0x4000, $0x38;
	[tilespmem:$0x18100] =	vst v63  }
0x120: {  	s17 =	simm.s32 $0xB  }
0x121: {  	_ =	swait.ge [sflag:s17], $0x4000  }
0x122: {  	[sflag:s17] =	ssyncset.done $0x0  }
0x123: {  	[sflag:s17] =	ssyncadd.s32 $0xFFFFC000  }
0x124: {  	v3 =	vld [tilespmem:$0xA0];
	_ =	sdelay $0x4  }
0x125: {  	v58 =	vshll.u32 v3, $0x3  }
0x126: {  	v3 =	vand.u32 $0x7, v3;
	v4 =	vand.u32 $0xFFFFFFC0, v58  }
0x127: {  	v3 =	vor.u32 v3, v4  }
0x128: {  	v4 =	vperm.xlane v3, v0;
	_ =	sdelay $0x1  }
0x129: {  	v4 =	vadd.s32 v1, v4;
	_ =	sdelay $0x4  }
0x12a: {  	[tilespmem:s18], [sflag:$0x5] =	stream.indirect_vreg.gather [hbm4b:s2+s3], $0x80, v4, vm0, $0xb8;
	[tilespmem:$0x18100] =	vst v63  }
0x12b: {  	v3 =	vperm.xlane v3, v2  }
0x12c: {  	[tilespmem:s12], [sflag:$0x5] =	stream.indirect_vreg.gather [hbm4b:s6+s3], $0x80, v4, vm0, $0xb8;
	[tilespmem:$0x18100] =	vst v63  }
0x12d: {  	v3 =	vadd.s32 v1, v3  }
0x12e: {  	[tilespmem:s22], [sflag:$0x5] =	stream.indirect_vreg.gather [hbm4b:s7+s3], $0x80, v4, vm0, $0xb8;
	[tilespmem:$0x18100] =	vst v63  }
0x12f: {  	_ = 	snop  }
0x130: {  	[tilespmem:s4], [sflag:$0x5] =	stream.indirect_vreg.gather [hbm4b:s8+s3], $0x80, v4, vm0, $0xb8;
	[tilespmem:$0x18100] =	vst v63  }
0x131: {  	_ = 	snop  }
0x132: {  	[tilespmem:s10], [sflag:$0x5] =	stream.indirect_vreg.gather [hbm4b:s2+s3], $0x80, v3, vm0, $0xb8;
	[tilespmem:$0x18100] =	vst v63  }
0x133: {  	_ = 	snop  }
0x134: {  	[tilespmem:s5], [sflag:$0x5] =	stream.indirect_vreg.gather [hbm4b:s6+s3], $0x80, v3, vm0, $0xb8;
	[tilespmem:$0x18100] =	vst v63  }
0x135: {  	_ = 	snop  }
0x136: {  	[tilespmem:s11], [sflag:$0x5] =	stream.indirect_vreg.gather [hbm4b:s7+s3], $0x80, v3, vm0, $0xb8;
	[tilespmem:$0x18100] =	vst v63  }
0x137: {  	s4 =	simm.s32 $0x6  }
0x138: {  	[tilespmem:s14], [sflag:$0x5] =	stream.indirect_vreg.gather [hbm4b:s8+s3], $0x80, v3, vm0, $0xb8;
	[tilespmem:$0x18100] =	vst v63  }
0x139: {  	_ =	swait.ge [sflag:s4], $0x4000  }
0x13a: {  	s5 =	simm.s32 $0xC;
	[sflag:s4] =	ssyncset.done $0x0  }
0x13b: {  	s14 =	simm.s32 $0x14100;
	s11 =	rddreg [dreg:$0x9];
	[sflag:s4] =	ssyncadd.s32 $0xFFFFC000  }
0x13c: {  	[hbm4b:s11+s3] =	stream.linear.scatter [tilespmem:s14], [sflag:$0xC], $0x4000, $0x38;
	[tilespmem:$0x18100] =	vst v63  }
0x13d: {  	_ =	swait.ge [sflag:s5], $0x4000  }
0x13e: {  	[sflag:s5] =	ssyncset.done $0x0  }
0x13f: {  	[sflag:s5] =	ssyncadd.s32 $0xFFFFC000  }
0x140: {  	v3 =	vld [tilespmem:$0xB0];
	_ =	sdelay $0x4  }
0x141: {  	v59 =	vshll.u32 v3, $0x3  }
0x142: {  	v3 =	vand.u32 $0x7, v3;
	v4 =	vand.u32 $0xFFFFFFC0, v59  }
0x143: {  	v3 =	vor.u32 v3, v4  }
0x144: {  	v4 =	vperm.xlane v3, v0;
	_ =	sdelay $0x1  }
0x145: {  	v4 =	vadd.s32 v1, v4;
	_ =	sdelay $0x4  }
0x146: {  	[tilespmem:s14], [sflag:$0x6] =	stream.indirect_vreg.gather [hbm4b:s2+s3], $0x80, v4, vm0, $0xb8;
	[tilespmem:$0x18100] =	vst v63  }
0x147: {  	v3 =	vperm.xlane v3, v2  }
0x148: {  	[tilespmem:s15], [sflag:$0x6] =	stream.indirect_vreg.gather [hbm4b:s6+s3], $0x80, v4, vm0, $0xb8;
	[tilespmem:$0x18100] =	vst v63  }
0x149: {  	v3 =	vadd.s32 v1, v3;
	s15 =	simm.s32 $0x15100  }
0x14a: {  	[tilespmem:s15], [sflag:$0x6] =	stream.indirect_vreg.gather [hbm4b:s7+s3], $0x80, v4, vm0, $0xb8;
	[tilespmem:$0x18100] =	vst v63  }
0x14b: {  	s13 =	simm.s32 $0x15900  }
0x14c: {  	[tilespmem:s13], [sflag:$0x6] =	stream.indirect_vreg.gather [hbm4b:s8+s3], $0x80, v4, vm0, $0xb8;
	[tilespmem:$0x18100] =	vst v63  }
0x14d: {  	s14 =	simm.s32 $0x16100  }
0x14e: {  	[tilespmem:s14], [sflag:$0x6] =	stream.indirect_vreg.gather [hbm4b:s2+s3], $0x80, v3, vm0, $0xb8;
	[tilespmem:$0x18100] =	vst v63  }
0x14f: {  	_ = 	snop  }
0x150: {  	[tilespmem:s21], [sflag:$0x6] =	stream.indirect_vreg.gather [hbm4b:s6+s3], $0x80, v3, vm0, $0xb8;
	[tilespmem:$0x18100] =	vst v63  }
0x151: {  	s15 =	simm.s32 $0x17100  }
0x152: {  	[tilespmem:s15], [sflag:$0x6] =	stream.indirect_vreg.gather [hbm4b:s7+s3], $0x80, v3, vm0, $0xb8;
	[tilespmem:$0x18100] =	vst v63  }
0x153: {  	s13 =	simm.s32 $0x17900  }
0x154: {  	[tilespmem:s13], [sflag:$0x6] =	stream.indirect_vreg.gather [hbm4b:s8+s3], $0x80, v3, vm0, $0xb8;
	[tilespmem:$0x18100] =	vst v63  }
0x155: {  	_ =	swait.ge [sflag:s20], $0x4000  }
0x156: {  	[sflag:s20] =	ssyncset.done $0x0  }
0x157: {  	s14 =	rddreg [dreg:$0xa];
	[sflag:s20] =	ssyncadd.s32 $0xFFFFC000  }
0x158: {  	[hbm4b:s14+s3] =	stream.linear.scatter [tilespmem:s19], [sflag:$0x7], $0x4000, $0x38;
	[tilespmem:$0x18100] =	vst v63  }
0x159: {  	_ =	swait.ge [sflag:s23], $0x4000  }
0x15a: {  	[sflag:s23] =	ssyncset.done $0x0  }
0x15b: {  	[sflag:s23] =	ssyncadd.s32 $0xFFFFC000  }
0x15c: {  	v3 =	vld [tilespmem:$0xC0];
	_ =	sdelay $0x4  }
0x15d: {  	v60 =	vshll.u32 v3, $0x3  }
0x15e: {  	v3 =	vand.u32 $0x7, v3;
	v4 =	vand.u32 $0xFFFFFFC0, v60  }
0x15f: {  	v3 =	vor.u32 v3, v4  }
0x160: {  	v4 =	vperm.xlane v3, v0;
	_ =	sdelay $0x1  }
0x161: {  	v4 =	vadd.s32 v1, v4;
	_ =	sdelay $0x4  }
0x162: {  	[tilespmem:s19], [sflag:$0x1] =	stream.indirect_vreg.gather [hbm4b:s2+s3], $0x80, v4, vm0, $0xb8;
	[tilespmem:$0x18100] =	vst v63  }
0x163: {  	s15 =	simm.s32 $0x900;
	v3 =	vperm.xlane v3, v2  }
0x164: {  	[tilespmem:s15], [sflag:$0x1] =	stream.indirect_vreg.gather [hbm4b:s6+s3], $0x80, v4, vm0, $0xb8;
	[tilespmem:$0x18100] =	vst v63  }
0x165: {  	s13 =	simm.s32 $0x1100;
	v3 =	vadd.s32 v1, v3  }
0x166: {  	[tilespmem:s13], [sflag:$0x1] =	stream.indirect_vreg.gather [hbm4b:s7+s3], $0x80, v4, vm0, $0xb8;
	[tilespmem:$0x18100] =	vst v63  }
0x167: {  	s14 =	simm.s32 $0x1900  }
0x168: {  	[tilespmem:s14], [sflag:$0x1] =	stream.indirect_vreg.gather [hbm4b:s8+s3], $0x80, v4, vm0, $0xb8;
	[tilespmem:$0x18100] =	vst v63  }
0x169: {  	s15 =	simm.s32 $0x2100  }
0x16a: {  	[tilespmem:s15], [sflag:$0x1] =	stream.indirect_vreg.gather [hbm4b:s2+s3], $0x80, v3, vm0, $0xb8;
	[tilespmem:$0x18100] =	vst v63  }
0x16b: {  	s13 =	simm.s32 $0x2900  }
0x16c: {  	[tilespmem:s13], [sflag:$0x1] =	stream.indirect_vreg.gather [hbm4b:s6+s3], $0x80, v3, vm0, $0xb8;
	[tilespmem:$0x18100] =	vst v63  }
0x16d: {  	s14 =	simm.s32 $0x3100  }
0x16e: {  	[tilespmem:s14], [sflag:$0x1] =	stream.indirect_vreg.gather [hbm4b:s7+s3], $0x80, v3, vm0, $0xb8;
	[tilespmem:$0x18100] =	vst v63  }
0x16f: {  	s15 =	simm.s32 $0x3900  }
0x170: {  	[tilespmem:s15], [sflag:$0x1] =	stream.indirect_vreg.gather [hbm4b:s8+s3], $0x80, v3, vm0, $0xb8;
	[tilespmem:$0x18100] =	vst v63  }
0x171: {  	_ =	swait.ge [sflag:s24], $0x4000  }
0x172: {  	[sflag:s24] =	ssyncset.done $0x0  }
0x173: {  	s11 =	rddreg [dreg:$0xb];
	[sflag:s24] =	ssyncadd.s32 $0xFFFFC000  }
0x174: {  	[hbm4b:s11+s3] =	stream.linear.scatter [tilespmem:s28], [sflag:$0x8], $0x4000, $0x38;
	[tilespmem:$0x18100] =	vst v63  }
0x175: {  	_ =	swait.ge [sflag:s25], $0x4000  }
0x176: {  	[sflag:s25] =	ssyncset.done $0x0  }
0x177: {  	[sflag:s25] =	ssyncadd.s32 $0xFFFFC000  }
0x178: {  	v3 =	vld [tilespmem:$0xD0];
	_ =	sdelay $0x4  }
0x179: {  	v61 =	vshll.u32 v3, $0x3  }
0x17a: {  	v3 =	vand.u32 $0x7, v3;
	v4 =	vand.u32 $0xFFFFFFC0, v61  }
0x17b: {  	v3 =	vor.u32 v3, v4  }
0x17c: {  	v4 =	vperm.xlane v3, v0;
	_ =	sdelay $0x1  }
0x17d: {  	v4 =	vadd.s32 v1, v4;
	_ =	sdelay $0x4  }
0x17e: {  	[tilespmem:s28], [sflag:$0x2] =	stream.indirect_vreg.gather [hbm4b:s2+s3], $0x80, v4, vm0, $0xb8;
	[tilespmem:$0x18100] =	vst v63  }
0x17f: {  	s13 =	simm.s32 $0x4900;
	v3 =	vperm.xlane v3, v2  }
0x180: {  	[tilespmem:s13], [sflag:$0x2] =	stream.indirect_vreg.gather [hbm4b:s6+s3], $0x80, v4, vm0, $0xb8;
	[tilespmem:$0x18100] =	vst v63  }
0x181: {  	s14 =	simm.s32 $0x5100;
	v3 =	vadd.s32 v1, v3  }
0x182: {  	[tilespmem:s14], [sflag:$0x2] =	stream.indirect_vreg.gather [hbm4b:s7+s3], $0x80, v4, vm0, $0xb8;
	[tilespmem:$0x18100] =	vst v63  }
0x183: {  	s15 =	simm.s32 $0x5900  }
0x184: {  	[tilespmem:s15], [sflag:$0x2] =	stream.indirect_vreg.gather [hbm4b:s8+s3], $0x80, v4, vm0, $0xb8;
	[tilespmem:$0x18100] =	vst v63  }
0x185: {  	s13 =	simm.s32 $0x6100  }
0x186: {  	[tilespmem:s13], [sflag:$0x2] =	stream.indirect_vreg.gather [hbm4b:s2+s3], $0x80, v3, vm0, $0xb8;
	[tilespmem:$0x18100] =	vst v63  }
0x187: {  	s14 =	simm.s32 $0x6900  }
0x188: {  	[tilespmem:s14], [sflag:$0x2] =	stream.indirect_vreg.gather [hbm4b:s6+s3], $0x80, v3, vm0, $0xb8;
	[tilespmem:$0x18100] =	vst v63  }
0x189: {  	s15 =	simm.s32 $0x7100  }
0x18a: {  	[tilespmem:s15], [sflag:$0x2] =	stream.indirect_vreg.gather [hbm4b:s7+s3], $0x80, v3, vm0, $0xb8;
	[tilespmem:$0x18100] =	vst v63  }
0x18b: {  	s13 =	simm.s32 $0x7900  }
0x18c: {  	[tilespmem:s13], [sflag:$0x2] =	stream.indirect_vreg.gather [hbm4b:s8+s3], $0x80, v3, vm0, $0xb8;
	[tilespmem:$0x18100] =	vst v63  }
0x18d: {  	_ =	swait.ge [sflag:s26], $0x4000  }
0x18e: {  	[sflag:s26] =	ssyncset.done $0x0  }
0x18f: {  	s14 =	rddreg [dreg:$0xc];
	[sflag:s26] =	ssyncadd.s32 $0xFFFFC000  }
0x190: {  	[hbm4b:s14+s3] =	stream.linear.scatter [tilespmem:s0], [sflag:$0x9], $0x4000, $0x38;
	[tilespmem:$0x18100] =	vst v63  }
0x191: {  	_ =	swait.ge [sflag:s29], $0x4000  }
0x192: {  	[sflag:s29] =	ssyncset.done $0x0  }
0x193: {  	[sflag:s29] =	ssyncadd.s32 $0xFFFFC000  }
0x194: {  	v3 =	vld [tilespmem:$0xE0];
	_ =	sdelay $0x4  }
0x195: {  	v62 =	vshll.u32 v3, $0x3  }
0x196: {  	v3 =	vand.u32 $0x7, v3;
	v4 =	vand.u32 $0xFFFFFFC0, v62  }
0x197: {  	v3 =	vor.u32 v3, v4  }
0x198: {  	v4 =	vperm.xlane v3, v0;
	_ =	sdelay $0x1  }
0x199: {  	v4 =	vadd.s32 v1, v4;
	_ =	sdelay $0x4  }
0x19a: {  	[tilespmem:s0], [sflag:$0x3] =	stream.indirect_vreg.gather [hbm4b:s2+s3], $0x80, v4, vm0, $0xb8;
	[tilespmem:$0x18100] =	vst v63  }
0x19b: {  	s15 =	simm.s32 $0x8900;
	v3 =	vperm.xlane v3, v2  }
0x19c: {  	[tilespmem:s15], [sflag:$0x3] =	stream.indirect_vreg.gather [hbm4b:s6+s3], $0x80, v4, vm0, $0xb8;
	[tilespmem:$0x18100] =	vst v63  }
0x19d: {  	s13 =	simm.s32 $0x9100;
	v3 =	vadd.s32 v1, v3  }
0x19e: {  	[tilespmem:s13], [sflag:$0x3] =	stream.indirect_vreg.gather [hbm4b:s7+s3], $0x80, v4, vm0, $0xb8;
	[tilespmem:$0x18100] =	vst v63  }
0x19f: {  	s14 =	simm.s32 $0x9900  }
0x1a0: {  	[tilespmem:s14], [sflag:$0x3] =	stream.indirect_vreg.gather [hbm4b:s8+s3], $0x80, v4, vm0, $0xb8;
	[tilespmem:$0x18100] =	vst v63  }
0x1a1: {  	s15 =	simm.s32 $0xA100  }
0x1a2: {  	[tilespmem:s15], [sflag:$0x3] =	stream.indirect_vreg.gather [hbm4b:s2+s3], $0x80, v3, vm0, $0xb8;
	[tilespmem:$0x18100] =	vst v63  }
0x1a3: {  	s13 =	simm.s32 $0xA900  }
0x1a4: {  	[tilespmem:s13], [sflag:$0x3] =	stream.indirect_vreg.gather [hbm4b:s6+s3], $0x80, v3, vm0, $0xb8;
	[tilespmem:$0x18100] =	vst v63  }
0x1a5: {  	s14 =	simm.s32 $0xB100  }
0x1a6: {  	[tilespmem:s14], [sflag:$0x3] =	stream.indirect_vreg.gather [hbm4b:s7+s3], $0x80, v3, vm0, $0xb8;
	[tilespmem:$0x18100] =	vst v63  }
0x1a7: {  	s15 =	simm.s32 $0xB900  }
0x1a8: {  	[tilespmem:s15], [sflag:$0x3] =	stream.indirect_vreg.gather [hbm4b:s8+s3], $0x80, v3, vm0, $0xb8;
	[tilespmem:$0x18100] =	vst v63  }
0x1a9: {  	_ =	swait.ge [sflag:s30], $0x4000  }
0x1aa: {  	[sflag:s30] =	ssyncset.done $0x0  }
0x1ab: {  	s11 =	rddreg [dreg:$0xd];
	[sflag:s30] =	ssyncadd.s32 $0xFFFFC000  }
0x1ac: {  	[hbm4b:s11+s3] =	stream.linear.scatter [tilespmem:s1], [sflag:$0xA], $0x4000, $0x38;
	[tilespmem:$0x18100] =	vst v63  }
0x1ad: {  	_ =	swait.ge [sflag:s31], $0x4000  }
0x1ae: {  	[sflag:s31] =	ssyncset.done $0x0  }
0x1af: {  	[sflag:s31] =	ssyncadd.s32 $0xFFFFC000  }
0x1b0: {  	v3 =	vld [tilespmem:$0xF0];
	_ =	sdelay $0x4  }
0x1b1: {  	v63 =	vshll.u32 v3, $0x3  }
0x1b2: {  	v3 =	vand.u32 $0x7, v3;
	v4 =	vand.u32 $0xFFFFFFC0, v63  }
0x1b3: {  	v3 =	vor.u32 v3, v4  }
0x1b4: {  	v4 =	vperm.xlane v3, v0;
	_ =	sdelay $0x1  }
0x1b5: {  	v4 =	vadd.s32 v1, v4;
	_ =	sdelay $0x4  }
0x1b6: {  	[tilespmem:s1], [sflag:$0x4] =	stream.indirect_vreg.gather [hbm4b:s2+s3], $0x80, v4, vm0, $0xb8;
	[tilespmem:$0x18100] =	vst v63  }
0x1b7: {  	s14 =	simm.s32 $0xC900;
	v3 =	vperm.xlane v3, v2  }
0x1b8: {  	[tilespmem:s14], [sflag:$0x4] =	stream.indirect_vreg.gather [hbm4b:s6+s3], $0x80, v4, vm0, $0xb8;
	[tilespmem:$0x18100] =	vst v63  }
0x1b9: {  	s15 =	simm.s32 $0xD100;
	v3 =	vadd.s32 v1, v3  }
0x1ba: {  	[tilespmem:s15], [sflag:$0x4] =	stream.indirect_vreg.gather [hbm4b:s7+s3], $0x80, v4, vm0, $0xb8;
	[tilespmem:$0x18100] =	vst v63  }
0x1bb: {  	s13 =	simm.s32 $0xD900  }
0x1bc: {  	[tilespmem:s13], [sflag:$0x4] =	stream.indirect_vreg.gather [hbm4b:s8+s3], $0x80, v4, vm0, $0xb8;
	[tilespmem:$0x18100] =	vst v63  }
0x1bd: {  	s14 =	simm.s32 $0xE100  }
0x1be: {  	[tilespmem:s14], [sflag:$0x4] =	stream.indirect_vreg.gather [hbm4b:s2+s3], $0x80, v3, vm0, $0xb8;
	[tilespmem:$0x18100] =	vst v63  }
0x1bf: {  	s15 =	simm.s32 $0xE900  }
0x1c0: {  	[tilespmem:s15], [sflag:$0x4] =	stream.indirect_vreg.gather [hbm4b:s6+s3], $0x80, v3, vm0, $0xb8;
	[tilespmem:$0x18100] =	vst v63  }
0x1c1: {  	s13 =	simm.s32 $0xF100  }
0x1c2: {  	[tilespmem:s13], [sflag:$0x4] =	stream.indirect_vreg.gather [hbm4b:s7+s3], $0x80, v3, vm0, $0xb8;
	[tilespmem:$0x18100] =	vst v63  }
0x1c3: {  	s14 =	simm.s32 $0xF900  }
0x1c4: {  	[tilespmem:s14], [sflag:$0x4] =	stream.indirect_vreg.gather [hbm4b:s8+s3], $0x80, v3, vm0, $0xb8;
	[tilespmem:$0x18100] =	vst v63  }
0x1c5: {  	_ =	swait.ge [sflag:s16], $0x4000  }
0x1c6: {  	[sflag:s16] =	ssyncset.done $0x0  }
0x1c7: {  	s18 =	simm.s32 $0x10100;
	s15 =	rddreg [dreg:$0xe];
	[sflag:s16] =	ssyncadd.s32 $0xFFFFC000  }
0x1c8: {  	[hbm4b:s15+s3] =	stream.linear.scatter [tilespmem:s18], [sflag:$0xB], $0x4000, $0x38;
	[tilespmem:$0x18100] =	vst v63  }
0x1c9: {  	_ =	swait.ge [sflag:s4], $0x4000  }
0x1ca: {  	[sflag:s4] =	ssyncset.done $0x0  }
0x1cb: {  	s10 =	simm.s32 $0x14100;
	s11 =	rddreg [dreg:$0xf];
	[sflag:s4] =	ssyncadd.s32 $0xFFFFC000  }
0x1cc: {  	[hbm4b:s11+s3] =	stream.linear.scatter [tilespmem:s10], [sflag:$0xC], $0x4000, $0x38;
	[tilespmem:$0x18100] =	vst v63  }
0x1cd: {  	_ =	swait.ge [sflag:s20], $0x4000  }
0x1ce: {  	[sflag:s20] =	ssyncset.done $0x0  }
0x1cf: {  	s14 =	rddreg [dreg:$0x10];
	[sflag:s20] =	ssyncadd.s32 $0xFFFFC000  }
0x1d0: {  	[hbm4b:s14+s3] =	stream.linear.scatter [tilespmem:s19], [sflag:$0x7], $0x4000, $0x38;
	[tilespmem:$0x18100] =	vst v63  }
0x1d1: {  	_ =	swait.ge [sflag:s24], $0x4000  }
0x1d2: {  	[sflag:s24] =	ssyncset.done $0x0  }
0x1d3: {  	s15 =	rddreg [dreg:$0x11];
	[sflag:s24] =	ssyncadd.s32 $0xFFFFC000  }
0x1d4: {  	[hbm4b:s15+s3] =	stream.linear.scatter [tilespmem:s28], [sflag:$0x8], $0x4000, $0x38;
	[tilespmem:$0x18100] =	vst v63  }
0x1d5: {  	_ =	swait.ge [sflag:s26], $0x4000  }
0x1d6: {  	[sflag:s26] =	ssyncset.done $0x0  }
0x1d7: {  	s16 =	rddreg [dreg:$0x12];
	[sflag:s26] =	ssyncadd.s32 $0xFFFFC000  }
0x1d8: {  	[hbm4b:s16+s3] =	stream.linear.scatter [tilespmem:s0], [sflag:$0x9], $0x4000, $0x38;
	[tilespmem:$0x18100] =	vst v63  }
0x1d9: {  	_ =	swait.ge [sflag:s30], $0x4000  }
0x1da: {  	[sflag:s30] =	ssyncset.done $0x0  }
0x1db: {  	s18 =	rddreg [dreg:$0x13];
	[sflag:s30] =	ssyncadd.s32 $0xFFFFC000  }
0x1dc: {  	[hbm4b:s18+s3] =	stream.linear.scatter [tilespmem:s1], [sflag:$0xA], $0x4000, $0x38;
	[tilespmem:$0x18100] =	vst v63  }
0x1dd: {  	_ =	swait.ge [sflag:s17], $0x4000  }
0x1de: {  	[sflag:s17] =	ssyncset.done $0x0  }
0x1df: {  	[sflag:s17] =	ssyncadd.s32 $0xFFFFC000  }
0x1e0: {  	_ =	swait.ge [sflag:s5], $0x4000  }
0x1e1: {  	[sflag:s5] =	ssyncset.done $0x0  }
0x1e2: {  	[sflag:s5] =	ssyncadd.s32 $0xFFFFC000  }
0x1e3: {  	_ =	swait.ge [sflag:s23], $0x4000  }
0x1e4: {  	[sflag:s23] =	ssyncset.done $0x0  }
0x1e5: {  	[sflag:s23] =	ssyncadd.s32 $0xFFFFC000  }
0x1e6: {  	_ =	swait.ge [sflag:s25], $0x4000  }
0x1e7: {  	[sflag:s25] =	ssyncset.done $0x0  }
0x1e8: {  	[sflag:s25] =	ssyncadd.s32 $0xFFFFC000  }
0x1e9: {  	p0 =	sne.s32 s9, $0x1;
	_ =	swait.ge [sflag:s29], $0x4000  }
.Ltmp0:
0x1ea: {  	[sflag:s29] =	ssyncset.done $0x0;
	(pc) =	sbr.rel @p0 .LBB2_1-.Ltmp0, $4  }
0x1eb: {  	[sflag:s29] =	ssyncadd.s32 $0xFFFFC000  }
0x1ec: {  	_ =	swait.ge [sflag:s31], $0x4000  }
0x1ed: {  	[sflag:s31] =	ssyncset.done $0x0  }
0x1ee: {  	s9 =	sadd.s32 $0xFFFFFFFF, s9;
	[sflag:s31] =	ssyncadd.s32 $0xFFFFC000  }
0x1ef: {  	_ =	sfence.sel $0x180000  }
0x1f0: {  	[bflag:$0x0] =	sbarrier.arrive $0xFFFF  }
0x1f1: {  	_ =	strace $0x90000047  }
0x1f2: {  	s0 =	stileid.u32;
	[bflag:$0x2] =	sbarrier.arrive $0xFFFF  }
0x1f3: {  	p0 =	sne.s32 s0, $0x0;
	s0 =	rddreg [dreg:$0x3]  }
0x1f4: {  	s0 =	sadd.s32 @!p0 $0x100000, s0  }
0x1f5: {  	[sflag:s0] =	ssyncadd.tile.s32 @!p0 $0x1;
	_ =	shalt  }
.Lfunc_end2:
_tile_overlayer_lowered:
.L_overlay_start_2:
0x1f6: {  	(tag) =	ssettag $0x2  }
0x1f7: {  	s0 =	rddreg [dreg:$0x0];
	s2 =	stileid.u32  }
0x1f8: {  	s1 =	rddreg [dreg:$0x1];
	p0 =	sne.s32 s2, $0x0  }
0x1f9: {  	s3 =	rddreg [dreg:$0x2];
	[bflag:$0x3] =	sbarrier.arrive $0xFFFF;
	s2 =	simm.s32 @!p0 $0x1C0D  }
0x1fa: {  	[timem:s3], [sflag:s2] =	dma.local @!p0 [hbm:s0], s1  }
0x1fb: {  	s0 =	simm.s32 @!p0 $0xD  }
0x1fc: {  	_ =	swait.ge @!p0 [sflag:s0], s1  }
0x1fd: {  	s1 =	ssub.s32 @!p0 $0x0, s1;
	[sflag:s0] =	ssyncset.done @!p0 $0x0  }
0x1fe: {  	[sflag:s0] =	ssyncadd.s32 @!p0 s1  }
0x1ff: {  	[bflag:$0x3] =	sbarrier.arrive $0xFFFF  }
0x200: {  	_ =	shalt  }

</sc_bundles>
